<compile_context>
chip_gen: v7x
topology: tpu7x:2x2x1
jax: 0.10.2.dev20260603
libtpu: 0.0.44.dev20260713+nightly
codegen_flags: <defaults>
</compile_context>

<pallas_src>
import jax
import jax.numpy as jnp
from jax import lax
from jax.experimental import pallas as pl
from jax.experimental.pallas import tpu as pltpu
from jax.experimental.pallas import tpu_sc as plsc

N = 10000
E = 320000
D_IN = 128
H1 = 64
H2 = 32
D_OUT = 2

NC = 2
NS = 16
NW = NC * NS
EPW = E // NW
C = 80
NSTEPS = EPW // C
NP = 10240
RPT = NP // NS
CNT_W = 16



def _make_segsum(D, with_cnt):
  mesh = plsc.VectorSubcoreMesh(
      core_axis_name="c", subcore_axis_name="s", num_cores=NC, num_subcores=NS)

  out_type = [jax.ShapeDtypeStruct((NC, NP, D), jnp.float32)]
  scratch = [
      pltpu.VMEM((NSTEPS, C), jnp.int32),
      pltpu.VMEM((NSTEPS, C), jnp.int32),
      pltpu.VMEM((C, D), jnp.float32),
      pltpu.VMEM_SHARED((NP, D), jnp.float32),
      pltpu.SemaphoreType.DMA,
  ]
  if with_cnt:
    out_type.append(jax.ShapeDtypeStruct((NC, NP, CNT_W), jnp.float32))
    scratch += [
        pltpu.VMEM((C, CNT_W), jnp.float32),
        pltpu.VMEM_SHARED((NP, CNT_W), jnp.float32),
    ]

  def body(p_hbm, src_hbm, dst_hbm, zrow_hbm, zcnt_hbm, ones_hbm,
           *rest):
    if with_cnt:
      (acc_hbm, cnt_hbm, src_v, dst_v, rows_v, acc_sh, sem,
       ones_v, cnt_sh) = rest
    else:
      (acc_hbm, src_v, dst_v, rows_v, acc_sh, sem) = rest
    c = lax.axis_index("c")
    s = lax.axis_index("s")
    wid = s * NC + c
    r0 = s * RPT

    pltpu.sync_copy(zrow_hbm, acc_sh.at[pl.ds(r0, RPT)])
    if with_cnt:
      pltpu.sync_copy(zcnt_hbm, cnt_sh.at[pl.ds(r0, RPT)])
      pltpu.sync_copy(ones_hbm, ones_v)

    pltpu.sync_copy(src_hbm.at[wid], src_v)
    pltpu.sync_copy(dst_hbm.at[wid], dst_v)
    plsc.subcore_barrier()

    def step(j, carry):
      pltpu.async_copy(p_hbm.at[src_v.at[j]], rows_v, sem).wait()
      pltpu.sync_copy(rows_v, acc_sh.at[dst_v.at[j]], add=True)
      if with_cnt:
        pltpu.sync_copy(ones_v, cnt_sh.at[dst_v.at[j]], add=True)
      return carry

    lax.fori_loop(0, NSTEPS, step, 0)
    plsc.subcore_barrier()

    pltpu.sync_copy(acc_sh.at[pl.ds(r0, RPT)], acc_hbm.at[c, pl.ds(r0, RPT)])
    if with_cnt:
      pltpu.sync_copy(cnt_sh.at[pl.ds(r0, RPT)], cnt_hbm.at[c, pl.ds(r0, RPT)])

  return pl.kernel(
      body, out_type=out_type, mesh=mesh, scratch_types=scratch,
      compiler_params=pltpu.CompilerParams(use_tc_tiling_on_sc=False))



_GRID = 16
_BR = NP // _GRID


def _tc1_body(x_ref, wl_ref, wr_ref, b_ref, p_ref, r_ref):
  xb = x_ref[...]
  p_ref[...] = jnp.dot(xb, wl_ref[...], preferred_element_type=jnp.float32)
  r_ref[...] = (jnp.dot(xb, wr_ref[...], preferred_element_type=jnp.float32)
                + b_ref[...])


def _tc_mid_body(acc_ref, cnt_ref, r_ref, wl_ref, wr_ref, b_ref,
                 p2_ref, r2_ref):
  acc = acc_ref[...]
  cnt = cnt_ref[...]
  tot = jnp.maximum(cnt[0, :, 0:1] + cnt[1, :, 0:1], 1.0)
  h = jnp.maximum((acc[0] + acc[1]) / tot + r_ref[...], 0.0)
  p2_ref[...] = jnp.dot(h, wl_ref[...], preferred_element_type=jnp.float32)
  r2_ref[...] = (jnp.dot(h, wr_ref[...], preferred_element_type=jnp.float32)
                 + b_ref[...])


def _tc3_body(acc_ref, cnt_ref, r_ref, wo_ref, bo_ref, out_ref):
  acc = acc_ref[...]
  cnt = cnt_ref[...]
  tot = jnp.maximum(cnt[0, :, 0:1] + cnt[1, :, 0:1], 1.0)
  h = jnp.maximum((acc[0] + acc[1]) / tot + r_ref[...], 0.0)
  out_ref[...] = (jnp.dot(h, wo_ref[...], preferred_element_type=jnp.float32)
                  + bo_ref[...])


def _row_spec(d):
  return pl.BlockSpec((_BR, d), lambda i: (i, 0))


def _full_spec(shape):
  return pl.BlockSpec(shape, lambda i: tuple(0 for _ in shape))


def _acc_spec(d):
  return pl.BlockSpec((NC, _BR, d), lambda i: (0, i, 0))



def kernel(x, edge_index, W1_l, b1, W1_r, W2_l, b2, W2_r, Wo, bo):
  f32 = jnp.float32
  src_r = edge_index[0].reshape(NW, NSTEPS, C)
  dst_r = edge_index[1].reshape(NW, NSTEPS, C)
  xp = jnp.pad(x, ((0, NP - N), (0, 0)))
  zrow1 = jnp.zeros((RPT, H1), f32)
  zrow2 = jnp.zeros((RPT, H2), f32)
  zcnt = jnp.zeros((RPT, CNT_W), f32)
  ones = jnp.ones((C, CNT_W), f32)

  p1, r1 = pl.pallas_call(
      _tc1_body,
      grid=(_GRID,),
      in_specs=[_row_spec(D_IN), _full_spec((D_IN, H1)), _full_spec((D_IN, H1)),
                _full_spec((1, H1))],
      out_specs=[_row_spec(H1), _row_spec(H1)],
      out_shape=[jax.ShapeDtypeStruct((NP, H1), f32),
                 jax.ShapeDtypeStruct((NP, H1), f32)],
  )(xp, W1_l.T, W1_r.T, b1.reshape(1, H1))

  acc1, cnt = _make_segsum(H1, True)(p1, src_r, dst_r, zrow1, zcnt, ones)

  p2, r2 = pl.pallas_call(
      _tc_mid_body,
      grid=(_GRID,),
      in_specs=[_acc_spec(H1), _acc_spec(CNT_W), _row_spec(H1),
                _full_spec((H1, H2)), _full_spec((H1, H2)), _full_spec((1, H2))],
      out_specs=[_row_spec(H2), _row_spec(H2)],
      out_shape=[jax.ShapeDtypeStruct((NP, H2), f32),
                 jax.ShapeDtypeStruct((NP, H2), f32)],
  )(acc1, cnt, r1, W2_l.T, W2_r.T, b2.reshape(1, H2))

  (acc2,) = _make_segsum(H2, False)(p2, src_r, dst_r, zrow2, zcnt, ones)

  out = pl.pallas_call(
      _tc3_body,
      grid=(_GRID,),
      in_specs=[_acc_spec(H2), _acc_spec(CNT_W), _row_spec(H2),
                _full_spec((H2, D_OUT)), _full_spec((1, D_OUT))],
      out_specs=_row_spec(D_OUT),
      out_shape=jax.ShapeDtypeStruct((NP, D_OUT), f32),
  )(acc2, cnt, r2, Wo.T, bo.reshape(1, D_OUT))
  return out[:N]

# --- scband reference (transcript-rebuilt; emitter-appended) ---
"""Pipeline reference for scband-fraud-gnn-71330816852688 (READ-ONLY COPY).

The authoritative reference and input builder live on the scoring server;
editing this copy changes nothing except your own understanding.
"""

import jax, jax.numpy as jnp
import numpy as np

N = 10000
E = 320000
D_IN = 128
H1 = 64
H2 = 32
D_OUT = 2


def setup_inputs(seed: int = 0) -> dict:
    key = jax.random.key(seed)
    ks = jax.random.split(key, 12)
    x = jax.random.normal(ks[0], (N, D_IN), dtype=jnp.float32)
    edge_index = jax.random.randint(ks[1], (2, E), 0, N, dtype=jnp.int32)
    # SAGEConv layer 1: lin_l (aggregated, with bias), lin_r (root, no bias)
    W1_l = jax.random.normal(ks[2], (H1, D_IN), dtype=jnp.float32) * (1.0 / np.sqrt(D_IN))
    b1 = jnp.zeros((H1,), dtype=jnp.float32)
    W1_r = jax.random.normal(ks[3], (H1, D_IN), dtype=jnp.float32) * (1.0 / np.sqrt(D_IN))
    # SAGEConv layer 2
    W2_l = jax.random.normal(ks[4], (H2, H1), dtype=jnp.float32) * (1.0 / np.sqrt(H1))
    b2 = jnp.zeros((H2,), dtype=jnp.float32)
    W2_r = jax.random.normal(ks[5], (H2, H1), dtype=jnp.float32) * (1.0 / np.sqrt(H1))
    # final linear
    Wo = jax.random.normal(ks[6], (D_OUT, H2), dtype=jnp.float32) * (1.0 / np.sqrt(H2))
    bo = jnp.zeros((D_OUT,), dtype=jnp.float32)
    return {
        "x": x,
        "edge_index": edge_index,
        "W1_l": W1_l, "b1": b1, "W1_r": W1_r,
        "W2_l": W2_l, "b2": b2, "W2_r": W2_r,
        "Wo": Wo, "bo": bo,
    }


def _sage_conv(x, edge_index, W_l, b_l, W_r):
    # PyG SAGEConv (mean aggr): out = lin_l(mean_{j in N(i)} x_j) + lin_r(x_i)
    src = edge_index[0]
    dst = edge_index[1]
    msgs = jnp.take(x, src, axis=0)
    agg = jax.ops.segment_sum(msgs, dst, num_segments=N)
    cnt = jax.ops.segment_sum(jnp.ones((edge_index.shape[1],), dtype=x.dtype), dst, num_segments=N)
    mean = agg / jnp.clip(cnt, 1.0, None)[:, None]
    return mean @ W_l.T + b_l + x @ W_r.T


def reference(x, edge_index, W1_l, b1, W1_r, W2_l, b2, W2_r, Wo, bo):
    h = _sage_conv(x, edge_index, W1_l, b1, W1_r)
    h = jax.nn.relu(h)
    h = _sage_conv(h, edge_index, W2_l, b2, W2_r)
    h = jax.nn.relu(h)
    return h @ Wo.T + bo

if __name__ == "__main__":
    import jax
    _d = setup_inputs()
    print(jax.jit(kernel)(*tuple(_d.values())))

</pallas_src>

<mosaic_0001>
#map = affine_map<(d0, d1) -> (0, 0)>
#map1 = affine_map<(d0, d1) -> (0, 0, 0)>
module attributes {stable_mosaic.version = 14 : i64} {
  func.func @body(%arg0: i32, %arg1: i32, %arg2: memref<10240x64xf32, #tpu.memory_space<hbm>>, %arg3: memref<32x125x80xi32, #tpu.memory_space<hbm>>, %arg4: memref<32x125x80xi32, #tpu.memory_space<hbm>>, %arg5: memref<640x64xf32, #tpu.memory_space<hbm>>, %arg6: memref<640x16xf32, #tpu.memory_space<hbm>>, %arg7: memref<80x16xf32, #tpu.memory_space<hbm>>, %arg8: memref<2x10240x64xf32, #tpu.memory_space<hbm>>, %arg9: memref<2x10240x16xf32, #tpu.memory_space<hbm>>, %arg10: memref<125x80xi32, #tpu.memory_space<vmem>>, %arg11: memref<125x80xi32, #tpu.memory_space<vmem>>, %arg12: memref<80x64xf32, #tpu.memory_space<vmem>>, %arg13: memref<10240x64xf32, #tpu.memory_space<vmem_shared>>, %arg14: memref<!tpu.dma_semaphore, #tpu.memory_space<semaphore_mem>>, %arg15: memref<80x16xf32, #tpu.memory_space<vmem>>, %arg16: memref<10240x16xf32, #tpu.memory_space<vmem_shared>>) attributes {dimension_semantics = [#tpu.dimension_semantics<core_parallel>, #tpu.dimension_semantics<subcore_parallel>], iteration_bounds = array<i64: 2, 16>, scalar_prefetch = 0 : i64, scratch_operands = 7 : i64, tpu.core_type = #tpu.core_type<sc_vector_subcore>, window_params = [{transform_indices = #map}, {transform_indices = #map1}, {transform_indices = #map1}, {transform_indices = #map}, {transform_indices = #map}, {transform_indices = #map}, {transform_indices = #map1}, {transform_indices = #map1}]} {
    %mul3A = arith.constant 2 : i32
    %mul3A_0 = arith.muli %arg1, %mul3A : i32
    %add3A = arith.addi %mul3A_0, %arg0 : i32
    %mul3A_1 = arith.constant 640 : i32
    %mul3A_2 = arith.muli %arg1, %mul3A_1 : i32
    "tpu.region"() ({
      %run_scoped3A = tpu.sem_alloc : memref<!tpu.dma_semaphore, #tpu.memory_space<semaphore_mem>>
      %dma_start3A = arith.constant 0 : i32
      %dma_start3A_9 = tpu.memref_slice %arg13[%mul3A_2, %dma_start3A] : memref<10240x64xf32, #tpu.memory_space<vmem_shared>> -> memref<640x64xf32, #tpu.memory_space<vmem_shared>>
      tpu.enqueue_dma source(%arg5 : memref<640x64xf32, #tpu.memory_space<hbm>>) target(%dma_start3A_9 : memref<640x64xf32, #tpu.memory_space<vmem_shared>>) target_semaphore(%run_scoped3A : memref<!tpu.dma_semaphore, #tpu.memory_space<semaphore_mem>>)
      %dma_wait3A = arith.constant 0 : i32
      %dma_wait3A_10 = tpu.memref_slice %arg13[%mul3A_2, %dma_wait3A] : memref<10240x64xf32, #tpu.memory_space<vmem_shared>> -> memref<640x64xf32, #tpu.memory_space<vmem_shared>>
      tpu.wait_dma2 semaphore(%run_scoped3A : memref<!tpu.dma_semaphore, #tpu.memory_space<semaphore_mem>>) src(%arg5 : memref<640x64xf32, #tpu.memory_space<hbm>>) dst(%dma_wait3A_10 : memref<640x64xf32, #tpu.memory_space<vmem_shared>>)
      tpu.yield
    }) : () -> ()
    "tpu.region"() ({
      %run_scoped3A = tpu.sem_alloc : memref<!tpu.dma_semaphore, #tpu.memory_space<semaphore_mem>>
      %dma_start3A = arith.constant 0 : i32
      %dma_start3A_9 = tpu.memref_slice %arg16[%mul3A_2, %dma_start3A] : memref<10240x16xf32, #tpu.memory_space<vmem_shared>> -> memref<640x16xf32, #tpu.memory_space<vmem_shared>>
      tpu.enqueue_dma source(%arg6 : memref<640x16xf32, #tpu.memory_space<hbm>>) target(%dma_start3A_9 : memref<640x16xf32, #tpu.memory_space<vmem_shared>>) target_semaphore(%run_scoped3A : memref<!tpu.dma_semaphore, #tpu.memory_space<semaphore_mem>>)
      %dma_wait3A = arith.constant 0 : i32
      %dma_wait3A_10 = tpu.memref_slice %arg16[%mul3A_2, %dma_wait3A] : memref<10240x16xf32, #tpu.memory_space<vmem_shared>> -> memref<640x16xf32, #tpu.memory_space<vmem_shared>>
      tpu.wait_dma2 semaphore(%run_scoped3A : memref<!tpu.dma_semaphore, #tpu.memory_space<semaphore_mem>>) src(%arg6 : memref<640x16xf32, #tpu.memory_space<hbm>>) dst(%dma_wait3A_10 : memref<640x16xf32, #tpu.memory_space<vmem_shared>>)
      tpu.yield
    }) : () -> ()
    "tpu.region"() ({
      %run_scoped3A = tpu.sem_alloc : memref<!tpu.dma_semaphore, #tpu.memory_space<semaphore_mem>>
      tpu.enqueue_dma source(%arg7 : memref<80x16xf32, #tpu.memory_space<hbm>>) target(%arg15 : memref<80x16xf32, #tpu.memory_space<vmem>>) target_semaphore(%run_scoped3A : memref<!tpu.dma_semaphore, #tpu.memory_space<semaphore_mem>>)
      tpu.wait_dma2 semaphore(%run_scoped3A : memref<!tpu.dma_semaphore, #tpu.memory_space<semaphore_mem>>) src(%arg7 : memref<80x16xf32, #tpu.memory_space<hbm>>) dst(%arg15 : memref<80x16xf32, #tpu.memory_space<vmem>>)
      tpu.yield
    }) : () -> ()
    "tpu.region"() ({
      %run_scoped3A = tpu.sem_alloc : memref<!tpu.dma_semaphore, #tpu.memory_space<semaphore_mem>>
      %dma_start3A = arith.constant 0 : i32
      %dma_start3A_9 = arith.constant 0 : i32
      %dma_start3A_10 = tpu.memref_slice %arg3[%add3A, %dma_start3A, %dma_start3A_9] : memref<32x125x80xi32, #tpu.memory_space<hbm>> -> memref<1x125x80xi32, #tpu.memory_space<hbm>>
      %dma_start3A_11 = tpu.memref_squeeze %dma_start3A_10 : memref<1x125x80xi32, #tpu.memory_space<hbm>> -> memref<125x80xi32, #tpu.memory_space<hbm>>
      %dma_start3A_12 = arith.constant 0 : i32
      %dma_start3A_13 = arith.constant 0 : i32
      %dma_start3A_14 = tpu.memref_slice %arg3[%add3A, %dma_start3A_12, %dma_start3A_13] : memref<32x125x80xi32, #tpu.memory_space<hbm>> -> memref<1x125x80xi32, #tpu.memory_space<hbm>>
      %dma_start3A_15 = tpu.memref_squeeze %dma_start3A_14 : memref<1x125x80xi32, #tpu.memory_space<hbm>> -> memref<125x80xi32, #tpu.memory_space<hbm>>
      tpu.enqueue_dma source(%dma_start3A_15 : memref<125x80xi32, #tpu.memory_space<hbm>>) target(%arg10 : memref<125x80xi32, #tpu.memory_space<vmem>>) target_semaphore(%run_scoped3A : memref<!tpu.dma_semaphore, #tpu.memory_space<semaphore_mem>>)
      %dma_wait3A = arith.constant 0 : i32
      %dma_wait3A_16 = arith.constant 0 : i32
      %dma_wait3A_17 = tpu.memref_slice %arg3[%add3A, %dma_wait3A, %dma_wait3A_16] : memref<32x125x80xi32, #tpu.memory_space<hbm>> -> memref<1x125x80xi32, #tpu.memory_space<hbm>>
      %dma_wait3A_18 = tpu.memref_squeeze %dma_wait3A_17 : memref<1x125x80xi32, #tpu.memory_space<hbm>> -> memref<125x80xi32, #tpu.memory_space<hbm>>
      %dma_wait3A_19 = arith.constant 0 : i32
      %dma_wait3A_20 = arith.constant 0 : i32
      %dma_wait3A_21 = tpu.memref_slice %arg3[%add3A, %dma_wait3A_19, %dma_wait3A_20] : memref<32x125x80xi32, #tpu.memory_space<hbm>> -> memref<1x125x80xi32, #tpu.memory_space<hbm>>
      %dma_wait3A_22 = tpu.memref_squeeze %dma_wait3A_21 : memref<1x125x80xi32, #tpu.memory_space<hbm>> -> memref<125x80xi32, #tpu.memory_space<hbm>>
      tpu.wait_dma2 semaphore(%run_scoped3A : memref<!tpu.dma_semaphore, #tpu.memory_space<semaphore_mem>>) src(%dma_wait3A_22 : memref<125x80xi32, #tpu.memory_space<hbm>>) dst(%arg10 : memref<125x80xi32, #tpu.memory_space<vmem>>)
      tpu.yield
    }) : () -> ()
    "tpu.region"() ({
      %run_scoped3A = tpu.sem_alloc : memref<!tpu.dma_semaphore, #tpu.memory_space<semaphore_mem>>
      %dma_start3A = arith.constant 0 : i32
      %dma_start3A_9 = arith.constant 0 : i32
      %dma_start3A_10 = tpu.memref_slice %arg4[%add3A, %dma_start3A, %dma_start3A_9] : memref<32x125x80xi32, #tpu.memory_space<hbm>> -> memref<1x125x80xi32, #tpu.memory_space<hbm>>
      %dma_start3A_11 = tpu.memref_squeeze %dma_start3A_10 : memref<1x125x80xi32, #tpu.memory_space<hbm>> -> memref<125x80xi32, #tpu.memory_space<hbm>>
      %dma_start3A_12 = arith.constant 0 : i32
      %dma_start3A_13 = arith.constant 0 : i32
      %dma_start3A_14 = tpu.memref_slice %arg4[%add3A, %dma_start3A_12, %dma_start3A_13] : memref<32x125x80xi32, #tpu.memory_space<hbm>> -> memref<1x125x80xi32, #tpu.memory_space<hbm>>
      %dma_start3A_15 = tpu.memref_squeeze %dma_start3A_14 : memref<1x125x80xi32, #tpu.memory_space<hbm>> -> memref<125x80xi32, #tpu.memory_space<hbm>>
      tpu.enqueue_dma source(%dma_start3A_15 : memref<125x80xi32, #tpu.memory_space<hbm>>) target(%arg11 : memref<125x80xi32, #tpu.memory_space<vmem>>) target_semaphore(%run_scoped3A : memref<!tpu.dma_semaphore, #tpu.memory_space<semaphore_mem>>)
      %dma_wait3A = arith.constant 0 : i32
      %dma_wait3A_16 = arith.constant 0 : i32
      %dma_wait3A_17 = tpu.memref_slice %arg4[%add3A, %dma_wait3A, %dma_wait3A_16] : memref<32x125x80xi32, #tpu.memory_space<hbm>> -> memref<1x125x80xi32, #tpu.memory_space<hbm>>
      %dma_wait3A_18 = tpu.memref_squeeze %dma_wait3A_17 : memref<1x125x80xi32, #tpu.memory_space<hbm>> -> memref<125x80xi32, #tpu.memory_space<hbm>>
      %dma_wait3A_19 = arith.constant 0 : i32
      %dma_wait3A_20 = arith.constant 0 : i32
      %dma_wait3A_21 = tpu.memref_slice %arg4[%add3A, %dma_wait3A_19, %dma_wait3A_20] : memref<32x125x80xi32, #tpu.memory_space<hbm>> -> memref<1x125x80xi32, #tpu.memory_space<hbm>>
      %dma_wait3A_22 = tpu.memref_squeeze %dma_wait3A_21 : memref<1x125x80xi32, #tpu.memory_space<hbm>> -> memref<125x80xi32, #tpu.memory_space<hbm>>
      tpu.wait_dma2 semaphore(%run_scoped3A : memref<!tpu.dma_semaphore, #tpu.memory_space<semaphore_mem>>) src(%dma_wait3A_22 : memref<125x80xi32, #tpu.memory_space<hbm>>) dst(%arg11 : memref<125x80xi32, #tpu.memory_space<vmem>>)
      tpu.yield
    }) : () -> ()
    %barrier3A = arith.constant 0 : index
    tpu.barrier barrier_id(%barrier3A)
    %scan3A = arith.constant 0 : i32
    %scan3A_3 = arith.constant 0 : i32
    %scan3A_4 = arith.constant 125 : i32
    %scan3A_5 = arith.addi %scan3A_3, %scan3A_4 : i32
    %scan3A_6 = arith.constant 1 : i32
    scf.for %scan3A_9 = %scan3A_3 to %scan3A_5 step %scan3A_6  : i32 {
      %dma_start3A = arith.constant 0 : i32
      %dma_start3A_10 = tpu.memref_slice %arg10[%scan3A_9, %dma_start3A] : memref<125x80xi32, #tpu.memory_space<vmem>> -> memref<1x80xi32, #tpu.memory_space<vmem>>
      %dma_start3A_11 = tpu.memref_squeeze %dma_start3A_10 : memref<1x80xi32, #tpu.memory_space<vmem>> -> memref<80xi32, #tpu.memory_space<vmem>>
      %dma_start3A_12 = arith.constant 0 : i32
      %dma_start3A_13 = arith.constant 0 : i32
      %dma_start3A_14 = tpu.memref_slice %arg2[%dma_start3A_12, %dma_start3A_13] : memref<10240x64xf32, #tpu.memory_space<hbm>> -> memref<10240x64xf32, #tpu.memory_space<hbm>>
      tpu.enqueue_indirect_dma source(%dma_start3A_14 : memref<10240x64xf32, #tpu.memory_space<hbm>>) target(%arg12 : memref<80x64xf32, #tpu.memory_space<vmem>>) offsets(%dma_start3A_11 : memref<80xi32, #tpu.memory_space<vmem>>) semaphore(%arg14 : memref<!tpu.dma_semaphore, #tpu.memory_space<semaphore_mem>>)
      %dma_wait3A = arith.constant 0 : i32
      %dma_wait3A_15 = tpu.memref_slice %arg10[%scan3A_9, %dma_wait3A] : memref<125x80xi32, #tpu.memory_space<vmem>> -> memref<1x80xi32, #tpu.memory_space<vmem>>
      %dma_wait3A_16 = tpu.memref_squeeze %dma_wait3A_15 : memref<1x80xi32, #tpu.memory_space<vmem>> -> memref<80xi32, #tpu.memory_space<vmem>>
      %dma_wait3A_17 = arith.constant 0 : i32
      %dma_wait3A_18 = arith.constant 0 : i32
      %dma_wait3A_19 = tpu.memref_slice %arg2[%dma_wait3A_17, %dma_wait3A_18] : memref<10240x64xf32, #tpu.memory_space<hbm>> -> memref<10240x64xf32, #tpu.memory_space<hbm>>
      tpu.wait_indirect_dma semaphore(%arg14 : memref<!tpu.dma_semaphore, #tpu.memory_space<semaphore_mem>>) src(%dma_wait3A_19 : memref<10240x64xf32, #tpu.memory_space<hbm>>) dst(%arg12 : memref<80x64xf32, #tpu.memory_space<vmem>>)
      "tpu.region"() ({
        %run_scoped3A = tpu.sem_alloc : memref<!tpu.dma_semaphore, #tpu.memory_space<semaphore_mem>>
        %dma_start3A_20 = arith.constant 0 : i32
        %dma_start3A_21 = tpu.memref_slice %arg11[%scan3A_9, %dma_start3A_20] : memref<125x80xi32, #tpu.memory_space<vmem>> -> memref<1x80xi32, #tpu.memory_space<vmem>>
        %dma_start3A_22 = tpu.memref_squeeze %dma_start3A_21 : memref<1x80xi32, #tpu.memory_space<vmem>> -> memref<80xi32, #tpu.memory_space<vmem>>
        %dma_start3A_23 = arith.constant 0 : i32
        %dma_start3A_24 = arith.constant 0 : i32
        %dma_start3A_25 = tpu.memref_slice %arg13[%dma_start3A_23, %dma_start3A_24] : memref<10240x64xf32, #tpu.memory_space<vmem_shared>> -> memref<10240x64xf32, #tpu.memory_space<vmem_shared>>
        tpu.enqueue_indirect_dma source(%arg12 : memref<80x64xf32, #tpu.memory_space<vmem>>) target(%dma_start3A_25 : memref<10240x64xf32, #tpu.memory_space<vmem_shared>>) offsets(%dma_start3A_22 : memref<80xi32, #tpu.memory_space<vmem>>) semaphore(%run_scoped3A : memref<!tpu.dma_semaphore, #tpu.memory_space<semaphore_mem>>) {add = true}
        %dma_wait3A_26 = arith.constant 0 : i32
        %dma_wait3A_27 = tpu.memref_slice %arg11[%scan3A_9, %dma_wait3A_26] : memref<125x80xi32, #tpu.memory_space<vmem>> -> memref<1x80xi32, #tpu.memory_space<vmem>>
        %dma_wait3A_28 = tpu.memref_squeeze %dma_wait3A_27 : memref<1x80xi32, #tpu.memory_space<vmem>> -> memref<80xi32, #tpu.memory_space<vmem>>
        %dma_wait3A_29 = arith.constant 0 : i32
        %dma_wait3A_30 = arith.constant 0 : i32
        %dma_wait3A_31 = tpu.memref_slice %arg13[%dma_wait3A_29, %dma_wait3A_30] : memref<10240x64xf32, #tpu.memory_space<vmem_shared>> -> memref<10240x64xf32, #tpu.memory_space<vmem_shared>>
        tpu.wait_indirect_dma semaphore(%run_scoped3A : memref<!tpu.dma_semaphore, #tpu.memory_space<semaphore_mem>>) src(%arg12 : memref<80x64xf32, #tpu.memory_space<vmem>>) dst(%dma_wait3A_31 : memref<10240x64xf32, #tpu.memory_space<vmem_shared>>)
        tpu.yield
      }) : () -> ()
      "tpu.region"() ({
        %run_scoped3A = tpu.sem_alloc : memref<!tpu.dma_semaphore, #tpu.memory_space<semaphore_mem>>
        %dma_start3A_20 = arith.constant 0 : i32
        %dma_start3A_21 = tpu.memref_slice %arg11[%scan3A_9, %dma_start3A_20] : memref<125x80xi32, #tpu.memory_space<vmem>> -> memref<1x80xi32, #tpu.memory_space<vmem>>
        %dma_start3A_22 = tpu.memref_squeeze %dma_start3A_21 : memref<1x80xi32, #tpu.memory_space<vmem>> -> memref<80xi32, #tpu.memory_space<vmem>>
        %dma_start3A_23 = arith.constant 0 : i32
        %dma_start3A_24 = arith.constant 0 : i32
        %dma_start3A_25 = tpu.memref_slice %arg16[%dma_start3A_23, %dma_start3A_24] : memref<10240x16xf32, #tpu.memory_space<vmem_shared>> -> memref<10240x16xf32, #tpu.memory_space<vmem_shared>>
        tpu.enqueue_indirect_dma source(%arg15 : memref<80x16xf32, #tpu.memory_space<vmem>>) target(%dma_start3A_25 : memref<10240x16xf32, #tpu.memory_space<vmem_shared>>) offsets(%dma_start3A_22 : memref<80xi32, #tpu.memory_space<vmem>>) semaphore(%run_scoped3A : memref<!tpu.dma_semaphore, #tpu.memory_space<semaphore_mem>>) {add = true}
        %dma_wait3A_26 = arith.constant 0 : i32
        %dma_wait3A_27 = tpu.memref_slice %arg11[%scan3A_9, %dma_wait3A_26] : memref<125x80xi32, #tpu.memory_space<vmem>> -> memref<1x80xi32, #tpu.memory_space<vmem>>
        %dma_wait3A_28 = tpu.memref_squeeze %dma_wait3A_27 : memref<1x80xi32, #tpu.memory_space<vmem>> -> memref<80xi32, #tpu.memory_space<vmem>>
        %dma_wait3A_29 = arith.constant 0 : i32
        %dma_wait3A_30 = arith.constant 0 : i32
        %dma_wait3A_31 = tpu.memref_slice %arg16[%dma_wait3A_29, %dma_wait3A_30] : memref<10240x16xf32, #tpu.memory_space<vmem_shared>> -> memref<10240x16xf32, #tpu.memory_space<vmem_shared>>
        tpu.wait_indirect_dma semaphore(%run_scoped3A : memref<!tpu.dma_semaphore, #tpu.memory_space<semaphore_mem>>) src(%arg15 : memref<80x16xf32, #tpu.memory_space<vmem>>) dst(%dma_wait3A_31 : memref<10240x16xf32, #tpu.memory_space<vmem_shared>>)
        tpu.yield
      }) : () -> ()
    }
    %scan3A_7 = arith.constant 125 : i32
    %barrier3A_8 = arith.constant 0 : index
    tpu.barrier barrier_id(%barrier3A_8)
    "tpu.region"() ({
      %run_scoped3A = tpu.sem_alloc : memref<!tpu.dma_semaphore, #tpu.memory_space<semaphore_mem>>
      %dma_start3A = arith.constant 0 : i32
      %dma_start3A_9 = tpu.memref_slice %arg8[%arg0, %mul3A_2, %dma_start3A] : memref<2x10240x64xf32, #tpu.memory_space<hbm>> -> memref<1x640x64xf32, #tpu.memory_space<hbm>>
      %dma_start3A_10 = tpu.memref_squeeze %dma_start3A_9 : memref<1x640x64xf32, #tpu.memory_space<hbm>> -> memref<640x64xf32, #tpu.memory_space<hbm>>
      %dma_start3A_11 = arith.constant 0 : i32
      %dma_start3A_12 = tpu.memref_slice %arg13[%mul3A_2, %dma_start3A_11] : memref<10240x64xf32, #tpu.memory_space<vmem_shared>> -> memref<640x64xf32, #tpu.memory_space<vmem_shared>>
      tpu.enqueue_dma source(%dma_start3A_12 : memref<640x64xf32, #tpu.memory_space<vmem_shared>>) target(%dma_start3A_10 : memref<640x64xf32, #tpu.memory_space<hbm>>) target_semaphore(%run_scoped3A : memref<!tpu.dma_semaphore, #tpu.memory_space<semaphore_mem>>)
      %dma_wait3A = arith.constant 0 : i32
      %dma_wait3A_13 = tpu.memref_slice %arg8[%arg0, %mul3A_2, %dma_wait3A] : memref<2x10240x64xf32, #tpu.memory_space<hbm>> -> memref<1x640x64xf32, #tpu.memory_space<hbm>>
      %dma_wait3A_14 = tpu.memref_squeeze %dma_wait3A_13 : memref<1x640x64xf32, #tpu.memory_space<hbm>> -> memref<640x64xf32, #tpu.memory_space<hbm>>
      %dma_wait3A_15 = arith.constant 0 : i32
      %dma_wait3A_16 = tpu.memref_slice %arg13[%mul3A_2, %dma_wait3A_15] : memref<10240x64xf32, #tpu.memory_space<vmem_shared>> -> memref<640x64xf32, #tpu.memory_space<vmem_shared>>
      tpu.wait_dma2 semaphore(%run_scoped3A : memref<!tpu.dma_semaphore, #tpu.memory_space<semaphore_mem>>) src(%dma_wait3A_16 : memref<640x64xf32, #tpu.memory_space<vmem_shared>>) dst(%dma_wait3A_14 : memref<640x64xf32, #tpu.memory_space<hbm>>)
      tpu.yield
    }) : () -> ()
    "tpu.region"() ({
      %run_scoped3A = tpu.sem_alloc : memref<!tpu.dma_semaphore, #tpu.memory_space<semaphore_mem>>
      %dma_start3A = arith.constant 0 : i32
      %dma_start3A_9 = tpu.memref_slice %arg9[%arg0, %mul3A_2, %dma_start3A] : memref<2x10240x16xf32, #tpu.memory_space<hbm>> -> memref<1x640x16xf32, #tpu.memory_space<hbm>>
      %dma_start3A_10 = tpu.memref_squeeze %dma_start3A_9 : memref<1x640x16xf32, #tpu.memory_space<hbm>> -> memref<640x16xf32, #tpu.memory_space<hbm>>
      %dma_start3A_11 = arith.constant 0 : i32
      %dma_start3A_12 = tpu.memref_slice %arg16[%mul3A_2, %dma_start3A_11] : memref<10240x16xf32, #tpu.memory_space<vmem_shared>> -> memref<640x16xf32, #tpu.memory_space<vmem_shared>>
      tpu.enqueue_dma source(%dma_start3A_12 : memref<640x16xf32, #tpu.memory_space<vmem_shared>>) target(%dma_start3A_10 : memref<640x16xf32, #tpu.memory_space<hbm>>) target_semaphore(%run_scoped3A : memref<!tpu.dma_semaphore, #tpu.memory_space<semaphore_mem>>)
      %dma_wait3A = arith.constant 0 : i32
      %dma_wait3A_13 = tpu.memref_slice %arg9[%arg0, %mul3A_2, %dma_wait3A] : memref<2x10240x16xf32, #tpu.memory_space<hbm>> -> memref<1x640x16xf32, #tpu.memory_space<hbm>>
      %dma_wait3A_14 = tpu.memref_squeeze %dma_wait3A_13 : memref<1x640x16xf32, #tpu.memory_space<hbm>> -> memref<640x16xf32, #tpu.memory_space<hbm>>
      %dma_wait3A_15 = arith.constant 0 : i32
      %dma_wait3A_16 = tpu.memref_slice %arg16[%mul3A_2, %dma_wait3A_15] : memref<10240x16xf32, #tpu.memory_space<vmem_shared>> -> memref<640x16xf32, #tpu.memory_space<vmem_shared>>
      tpu.wait_dma2 semaphore(%run_scoped3A : memref<!tpu.dma_semaphore, #tpu.memory_space<semaphore_mem>>) src(%dma_wait3A_16 : memref<640x16xf32, #tpu.memory_space<vmem_shared>>) dst(%dma_wait3A_14 : memref<640x16xf32, #tpu.memory_space<hbm>>)
      tpu.yield
    }) : () -> ()
    return
  }
}

#map = affine_map<(d0, d1) -> (0, 0)>
#map1 = affine_map<(d0, d1) -> (0, 0, 0)>
module attributes {stable_mosaic.version = 14 : i64} {
  func.func @body(%arg0: i32, %arg1: i32, %arg2: memref<10240x32xf32, #tpu.memory_space<hbm>>, %arg3: memref<32x125x80xi32, #tpu.memory_space<hbm>>, %arg4: memref<32x125x80xi32, #tpu.memory_space<hbm>>, %arg5: memref<640x32xf32, #tpu.memory_space<hbm>>, %arg6: memref<640x16xf32, #tpu.memory_space<hbm>>, %arg7: memref<80x16xf32, #tpu.memory_space<hbm>>, %arg8: memref<2x10240x32xf32, #tpu.memory_space<hbm>>, %arg9: memref<125x80xi32, #tpu.memory_space<vmem>>, %arg10: memref<125x80xi32, #tpu.memory_space<vmem>>, %arg11: memref<80x32xf32, #tpu.memory_space<vmem>>, %arg12: memref<10240x32xf32, #tpu.memory_space<vmem_shared>>, %arg13: memref<!tpu.dma_semaphore, #tpu.memory_space<semaphore_mem>>) attributes {dimension_semantics = [#tpu.dimension_semantics<core_parallel>, #tpu.dimension_semantics<subcore_parallel>], iteration_bounds = array<i64: 2, 16>, scalar_prefetch = 0 : i64, scratch_operands = 5 : i64, tpu.core_type = #tpu.core_type<sc_vector_subcore>, window_params = [{transform_indices = #map}, {transform_indices = #map1}, {transform_indices = #map1}, {transform_indices = #map}, {transform_indices = #map}, {transform_indices = #map}, {transform_indices = #map1}]} {
    %mul3A = arith.constant 2 : i32
    %mul3A_0 = arith.muli %arg1, %mul3A : i32
    %add3A = arith.addi %mul3A_0, %arg0 : i32
    %mul3A_1 = arith.constant 640 : i32
    %mul3A_2 = arith.muli %arg1, %mul3A_1 : i32
    "tpu.region"() ({
      %run_scoped3A = tpu.sem_alloc : memref<!tpu.dma_semaphore, #tpu.memory_space<semaphore_mem>>
      %dma_start3A = arith.constant 0 : i32
      %dma_start3A_9 = tpu.memref_slice %arg12[%mul3A_2, %dma_start3A] : memref<10240x32xf32, #tpu.memory_space<vmem_shared>> -> memref<640x32xf32, #tpu.memory_space<vmem_shared>>
      tpu.enqueue_dma source(%arg5 : memref<640x32xf32, #tpu.memory_space<hbm>>) target(%dma_start3A_9 : memref<640x32xf32, #tpu.memory_space<vmem_shared>>) target_semaphore(%run_scoped3A : memref<!tpu.dma_semaphore, #tpu.memory_space<semaphore_mem>>)
      %dma_wait3A = arith.constant 0 : i32
      %dma_wait3A_10 = tpu.memref_slice %arg12[%mul3A_2, %dma_wait3A] : memref<10240x32xf32, #tpu.memory_space<vmem_shared>> -> memref<640x32xf32, #tpu.memory_space<vmem_shared>>
      tpu.wait_dma2 semaphore(%run_scoped3A : memref<!tpu.dma_semaphore, #tpu.memory_space<semaphore_mem>>) src(%arg5 : memref<640x32xf32, #tpu.memory_space<hbm>>) dst(%dma_wait3A_10 : memref<640x32xf32, #tpu.memory_space<vmem_shared>>)
      tpu.yield
    }) : () -> ()
    "tpu.region"() ({
      %run_scoped3A = tpu.sem_alloc : memref<!tpu.dma_semaphore, #tpu.memory_space<semaphore_mem>>
      %dma_start3A = arith.constant 0 : i32
      %dma_start3A_9 = arith.constant 0 : i32
      %dma_start3A_10 = tpu.memref_slice %arg3[%add3A, %dma_start3A, %dma_start3A_9] : memref<32x125x80xi32, #tpu.memory_space<hbm>> -> memref<1x125x80xi32, #tpu.memory_space<hbm>>
      %dma_start3A_11 = tpu.memref_squeeze %dma_start3A_10 : memref<1x125x80xi32, #tpu.memory_space<hbm>> -> memref<125x80xi32, #tpu.memory_space<hbm>>
      %dma_start3A_12 = arith.constant 0 : i32
      %dma_start3A_13 = arith.constant 0 : i32
      %dma_start3A_14 = tpu.memref_slice %arg3[%add3A, %dma_start3A_12, %dma_start3A_13] : memref<32x125x80xi32, #tpu.memory_space<hbm>> -> memref<1x125x80xi32, #tpu.memory_space<hbm>>
      %dma_start3A_15 = tpu.memref_squeeze %dma_start3A_14 : memref<1x125x80xi32, #tpu.memory_space<hbm>> -> memref<125x80xi32, #tpu.memory_space<hbm>>
      tpu.enqueue_dma source(%dma_start3A_15 : memref<125x80xi32, #tpu.memory_space<hbm>>) target(%arg9 : memref<125x80xi32, #tpu.memory_space<vmem>>) target_semaphore(%run_scoped3A : memref<!tpu.dma_semaphore, #tpu.memory_space<semaphore_mem>>)
      %dma_wait3A = arith.constant 0 : i32
      %dma_wait3A_16 = arith.constant 0 : i32
      %dma_wait3A_17 = tpu.memref_slice %arg3[%add3A, %dma_wait3A, %dma_wait3A_16] : memref<32x125x80xi32, #tpu.memory_space<hbm>> -> memref<1x125x80xi32, #tpu.memory_space<hbm>>
      %dma_wait3A_18 = tpu.memref_squeeze %dma_wait3A_17 : memref<1x125x80xi32, #tpu.memory_space<hbm>> -> memref<125x80xi32, #tpu.memory_space<hbm>>
      %dma_wait3A_19 = arith.constant 0 : i32
      %dma_wait3A_20 = arith.constant 0 : i32
      %dma_wait3A_21 = tpu.memref_slice %arg3[%add3A, %dma_wait3A_19, %dma_wait3A_20] : memref<32x125x80xi32, #tpu.memory_space<hbm>> -> memref<1x125x80xi32, #tpu.memory_space<hbm>>
      %dma_wait3A_22 = tpu.memref_squeeze %dma_wait3A_21 : memref<1x125x80xi32, #tpu.memory_space<hbm>> -> memref<125x80xi32, #tpu.memory_space<hbm>>
      tpu.wait_dma2 semaphore(%run_scoped3A : memref<!tpu.dma_semaphore, #tpu.memory_space<semaphore_mem>>) src(%dma_wait3A_22 : memref<125x80xi32, #tpu.memory_space<hbm>>) dst(%arg9 : memref<125x80xi32, #tpu.memory_space<vmem>>)
      tpu.yield
    }) : () -> ()
    "tpu.region"() ({
      %run_scoped3A = tpu.sem_alloc : memref<!tpu.dma_semaphore, #tpu.memory_space<semaphore_mem>>
      %dma_start3A = arith.constant 0 : i32
      %dma_start3A_9 = arith.constant 0 : i32
      %dma_start3A_10 = tpu.memref_slice %arg4[%add3A, %dma_start3A, %dma_start3A_9] : memref<32x125x80xi32, #tpu.memory_space<hbm>> -> memref<1x125x80xi32, #tpu.memory_space<hbm>>
      %dma_start3A_11 = tpu.memref_squeeze %dma_start3A_10 : memref<1x125x80xi32, #tpu.memory_space<hbm>> -> memref<125x80xi32, #tpu.memory_space<hbm>>
      %dma_start3A_12 = arith.constant 0 : i32
      %dma_start3A_13 = arith.constant 0 : i32
      %dma_start3A_14 = tpu.memref_slice %arg4[%add3A, %dma_start3A_12, %dma_start3A_13] : memref<32x125x80xi32, #tpu.memory_space<hbm>> -> memref<1x125x80xi32, #tpu.memory_space<hbm>>
      %dma_start3A_15 = tpu.memref_squeeze %dma_start3A_14 : memref<1x125x80xi32, #tpu.memory_space<hbm>> -> memref<125x80xi32, #tpu.memory_space<hbm>>
      tpu.enqueue_dma source(%dma_start3A_15 : memref<125x80xi32, #tpu.memory_space<hbm>>) target(%arg10 : memref<125x80xi32, #tpu.memory_space<vmem>>) target_semaphore(%run_scoped3A : memref<!tpu.dma_semaphore, #tpu.memory_space<semaphore_mem>>)
      %dma_wait3A = arith.constant 0 : i32
      %dma_wait3A_16 = arith.constant 0 : i32
      %dma_wait3A_17 = tpu.memref_slice %arg4[%add3A, %dma_wait3A, %dma_wait3A_16] : memref<32x125x80xi32, #tpu.memory_space<hbm>> -> memref<1x125x80xi32, #tpu.memory_space<hbm>>
      %dma_wait3A_18 = tpu.memref_squeeze %dma_wait3A_17 : memref<1x125x80xi32, #tpu.memory_space<hbm>> -> memref<125x80xi32, #tpu.memory_space<hbm>>
      %dma_wait3A_19 = arith.constant 0 : i32
      %dma_wait3A_20 = arith.constant 0 : i32
      %dma_wait3A_21 = tpu.memref_slice %arg4[%add3A, %dma_wait3A_19, %dma_wait3A_20] : memref<32x125x80xi32, #tpu.memory_space<hbm>> -> memref<1x125x80xi32, #tpu.memory_space<hbm>>
      %dma_wait3A_22 = tpu.memref_squeeze %dma_wait3A_21 : memref<1x125x80xi32, #tpu.memory_space<hbm>> -> memref<125x80xi32, #tpu.memory_space<hbm>>
      tpu.wait_dma2 semaphore(%run_scoped3A : memref<!tpu.dma_semaphore, #tpu.memory_space<semaphore_mem>>) src(%dma_wait3A_22 : memref<125x80xi32, #tpu.memory_space<hbm>>) dst(%arg10 : memref<125x80xi32, #tpu.memory_space<vmem>>)
      tpu.yield
    }) : () -> ()
    %barrier3A = arith.constant 0 : index
    tpu.barrier barrier_id(%barrier3A)
    %scan3A = arith.constant 0 : i32
    %scan3A_3 = arith.constant 0 : i32
    %scan3A_4 = arith.constant 125 : i32
    %scan3A_5 = arith.addi %scan3A_3, %scan3A_4 : i32
    %scan3A_6 = arith.constant 1 : i32
    scf.for %scan3A_9 = %scan3A_3 to %scan3A_5 step %scan3A_6  : i32 {
      %dma_start3A = arith.constant 0 : i32
      %dma_start3A_10 = tpu.memref_slice %arg9[%scan3A_9, %dma_start3A] : memref<125x80xi32, #tpu.memory_space<vmem>> -> memref<1x80xi32, #tpu.memory_space<vmem>>
      %dma_start3A_11 = tpu.memref_squeeze %dma_start3A_10 : memref<1x80xi32, #tpu.memory_space<vmem>> -> memref<80xi32, #tpu.memory_space<vmem>>
      %dma_start3A_12 = arith.constant 0 : i32
      %dma_start3A_13 = arith.constant 0 : i32
      %dma_start3A_14 = tpu.memref_slice %arg2[%dma_start3A_12, %dma_start3A_13] : memref<10240x32xf32, #tpu.memory_space<hbm>> -> memref<10240x32xf32, #tpu.memory_space<hbm>>
      tpu.enqueue_indirect_dma source(%dma_start3A_14 : memref<10240x32xf32, #tpu.memory_space<hbm>>) target(%arg11 : memref<80x32xf32, #tpu.memory_space<vmem>>) offsets(%dma_start3A_11 : memref<80xi32, #tpu.memory_space<vmem>>) semaphore(%arg13 : memref<!tpu.dma_semaphore, #tpu.memory_space<semaphore_mem>>)
      %dma_wait3A = arith.constant 0 : i32
      %dma_wait3A_15 = tpu.memref_slice %arg9[%scan3A_9, %dma_wait3A] : memref<125x80xi32, #tpu.memory_space<vmem>> -> memref<1x80xi32, #tpu.memory_space<vmem>>
      %dma_wait3A_16 = tpu.memref_squeeze %dma_wait3A_15 : memref<1x80xi32, #tpu.memory_space<vmem>> -> memref<80xi32, #tpu.memory_space<vmem>>
      %dma_wait3A_17 = arith.constant 0 : i32
      %dma_wait3A_18 = arith.constant 0 : i32
      %dma_wait3A_19 = tpu.memref_slice %arg2[%dma_wait3A_17, %dma_wait3A_18] : memref<10240x32xf32, #tpu.memory_space<hbm>> -> memref<10240x32xf32, #tpu.memory_space<hbm>>
      tpu.wait_indirect_dma semaphore(%arg13 : memref<!tpu.dma_semaphore, #tpu.memory_space<semaphore_mem>>) src(%dma_wait3A_19 : memref<10240x32xf32, #tpu.memory_space<hbm>>) dst(%arg11 : memref<80x32xf32, #tpu.memory_space<vmem>>)
      "tpu.region"() ({
        %run_scoped3A = tpu.sem_alloc : memref<!tpu.dma_semaphore, #tpu.memory_space<semaphore_mem>>
        %dma_start3A_20 = arith.constant 0 : i32
        %dma_start3A_21 = tpu.memref_slice %arg10[%scan3A_9, %dma_start3A_20] : memref<125x80xi32, #tpu.memory_space<vmem>> -> memref<1x80xi32, #tpu.memory_space<vmem>>
        %dma_start3A_22 = tpu.memref_squeeze %dma_start3A_21 : memref<1x80xi32, #tpu.memory_space<vmem>> -> memref<80xi32, #tpu.memory_space<vmem>>
        %dma_start3A_23 = arith.constant 0 : i32
        %dma_start3A_24 = arith.constant 0 : i32
        %dma_start3A_25 = tpu.memref_slice %arg12[%dma_start3A_23, %dma_start3A_24] : memref<10240x32xf32, #tpu.memory_space<vmem_shared>> -> memref<10240x32xf32, #tpu.memory_space<vmem_shared>>
        tpu.enqueue_indirect_dma source(%arg11 : memref<80x32xf32, #tpu.memory_space<vmem>>) target(%dma_start3A_25 : memref<10240x32xf32, #tpu.memory_space<vmem_shared>>) offsets(%dma_start3A_22 : memref<80xi32, #tpu.memory_space<vmem>>) semaphore(%run_scoped3A : memref<!tpu.dma_semaphore, #tpu.memory_space<semaphore_mem>>) {add = true}
        %dma_wait3A_26 = arith.constant 0 : i32
        %dma_wait3A_27 = tpu.memref_slice %arg10[%scan3A_9, %dma_wait3A_26] : memref<125x80xi32, #tpu.memory_space<vmem>> -> memref<1x80xi32, #tpu.memory_space<vmem>>
        %dma_wait3A_28 = tpu.memref_squeeze %dma_wait3A_27 : memref<1x80xi32, #tpu.memory_space<vmem>> -> memref<80xi32, #tpu.memory_space<vmem>>
        %dma_wait3A_29 = arith.constant 0 : i32
        %dma_wait3A_30 = arith.constant 0 : i32
        %dma_wait3A_31 = tpu.memref_slice %arg12[%dma_wait3A_29, %dma_wait3A_30] : memref<10240x32xf32, #tpu.memory_space<vmem_shared>> -> memref<10240x32xf32, #tpu.memory_space<vmem_shared>>
        tpu.wait_indirect_dma semaphore(%run_scoped3A : memref<!tpu.dma_semaphore, #tpu.memory_space<semaphore_mem>>) src(%arg11 : memref<80x32xf32, #tpu.memory_space<vmem>>) dst(%dma_wait3A_31 : memref<10240x32xf32, #tpu.memory_space<vmem_shared>>)
        tpu.yield
      }) : () -> ()
    }
    %scan3A_7 = arith.constant 125 : i32
    %barrier3A_8 = arith.constant 0 : index
    tpu.barrier barrier_id(%barrier3A_8)
    "tpu.region"() ({
      %run_scoped3A = tpu.sem_alloc : memref<!tpu.dma_semaphore, #tpu.memory_space<semaphore_mem>>
      %dma_start3A = arith.constant 0 : i32
      %dma_start3A_9 = tpu.memref_slice %arg8[%arg0, %mul3A_2, %dma_start3A] : memref<2x10240x32xf32, #tpu.memory_space<hbm>> -> memref<1x640x32xf32, #tpu.memory_space<hbm>>
      %dma_start3A_10 = tpu.memref_squeeze %dma_start3A_9 : memref<1x640x32xf32, #tpu.memory_space<hbm>> -> memref<640x32xf32, #tpu.memory_space<hbm>>
      %dma_start3A_11 = arith.constant 0 : i32
      %dma_start3A_12 = tpu.memref_slice %arg12[%mul3A_2, %dma_start3A_11] : memref<10240x32xf32, #tpu.memory_space<vmem_shared>> -> memref<640x32xf32, #tpu.memory_space<vmem_shared>>
      tpu.enqueue_dma source(%dma_start3A_12 : memref<640x32xf32, #tpu.memory_space<vmem_shared>>) target(%dma_start3A_10 : memref<640x32xf32, #tpu.memory_space<hbm>>) target_semaphore(%run_scoped3A : memref<!tpu.dma_semaphore, #tpu.memory_space<semaphore_mem>>)
      %dma_wait3A = arith.constant 0 : i32
      %dma_wait3A_13 = tpu.memref_slice %arg8[%arg0, %mul3A_2, %dma_wait3A] : memref<2x10240x32xf32, #tpu.memory_space<hbm>> -> memref<1x640x32xf32, #tpu.memory_space<hbm>>
      %dma_wait3A_14 = tpu.memref_squeeze %dma_wait3A_13 : memref<1x640x32xf32, #tpu.memory_space<hbm>> -> memref<640x32xf32, #tpu.memory_space<hbm>>
      %dma_wait3A_15 = arith.constant 0 : i32
      %dma_wait3A_16 = tpu.memref_slice %arg12[%mul3A_2, %dma_wait3A_15] : memref<10240x32xf32, #tpu.memory_space<vmem_shared>> -> memref<640x32xf32, #tpu.memory_space<vmem_shared>>
      tpu.wait_dma2 semaphore(%run_scoped3A : memref<!tpu.dma_semaphore, #tpu.memory_space<semaphore_mem>>) src(%dma_wait3A_16 : memref<640x32xf32, #tpu.memory_space<vmem_shared>>) dst(%dma_wait3A_14 : memref<640x32xf32, #tpu.memory_space<hbm>>)
      tpu.yield
    }) : () -> ()
    return
  }
}

module attributes {stable_mosaic.version = 14 : i64} {
  func.func @_tc1_body(%arg0: i32, %arg1: memref<640x128xf32, #tpu.memory_space<vmem>>, %arg2: memref<128x64xf32, #tpu.memory_space<vmem>>, %arg3: memref<128x64xf32, #tpu.memory_space<vmem>>, %arg4: memref<1x64xf32, #tpu.memory_space<vmem>>, %arg5: memref<640x64xf32, #tpu.memory_space<vmem>>, %arg6: memref<640x64xf32, #tpu.memory_space<vmem>>) attributes {dimension_semantics = [#tpu.dimension_semantics<arbitrary>], iteration_bounds = array<i64: 16>, scalar_prefetch = 0 : i64, scratch_operands = 0 : i64, tpu.core_type = #tpu.core_type<tc>, window_params = [{transform_indices = @transform_0, window_bounds = array<i64: 640, 128>}, {pipeline_mode = #tpu.pipeline_mode<synchronous>, transform_indices = @transform_1, window_bounds = array<i64: 128, 64>}, {pipeline_mode = #tpu.pipeline_mode<synchronous>, transform_indices = @transform_2, window_bounds = array<i64: 128, 64>}, {pipeline_mode = #tpu.pipeline_mode<synchronous>, transform_indices = @transform_3, window_bounds = array<i64: 1, 64>}, {transform_indices = @transform_4, window_bounds = array<i64: 640, 64>}, {transform_indices = @transform_5, window_bounds = array<i64: 640, 64>}]} {
    %get3A = arith.constant 0 : index
    %get3A_0 = arith.constant 0 : index
    %get3A_1 = vector.load %arg1[%get3A, %get3A_0] : memref<640x128xf32, #tpu.memory_space<vmem>>, vector<640x128xf32>
    %get3A_2 = arith.constant 0 : index
    %get3A_3 = arith.constant 0 : index
    %get3A_4 = vector.load %arg2[%get3A_2, %get3A_3] : memref<128x64xf32, #tpu.memory_space<vmem>>, vector<128x64xf32>
    %dot_general3A = arith.constant dense<0.000000e+00> : vector<640x64xf32>
    %dot_general3A_5 = tpu.matmul %get3A_1, %get3A_4, %dot_general3A {dimension_numbers = #tpu.dot_dimension_numbers<[1], [0], [0], [1], [0, 0, 1, 1], [], []>, transpose_lhs_hint = false} : vector<640x128xf32>, vector<128x64xf32>, vector<640x64xf32> -> vector<640x64xf32>
    %swap3A = arith.constant 0 : index
    %swap3A_6 = arith.constant 0 : index
    %swap3A_7 = vector.load %arg5[%swap3A, %swap3A_6] : memref<640x64xf32, #tpu.memory_space<vmem>>, vector<640x64xf32>
    tpu.vector_store %arg5[%swap3A, %swap3A_6], %dot_general3A_5 {strides = array<i32>} : memref<640x64xf32, #tpu.memory_space<vmem>>, vector<640x64xf32>,
    %get3A_8 = arith.constant 0 : index
    %get3A_9 = arith.constant 0 : index
    %get3A_10 = vector.load %arg3[%get3A_8, %get3A_9] : memref<128x64xf32, #tpu.memory_space<vmem>>, vector<128x64xf32>
    %dot_general3A_11 = arith.constant dense<0.000000e+00> : vector<640x64xf32>
    %dot_general3A_12 = tpu.matmul %get3A_1, %get3A_10, %dot_general3A_11 {dimension_numbers = #tpu.dot_dimension_numbers<[1], [0], [0], [1], [0, 0, 1, 1], [], []>, transpose_lhs_hint = false} : vector<640x128xf32>, vector<128x64xf32>, vector<640x64xf32> -> vector<640x64xf32>
    %get3A_13 = arith.constant 0 : index
    %get3A_14 = arith.constant 0 : index
    %get3A_15 = vector.load %arg4[%get3A_13, %get3A_14] : memref<1x64xf32, #tpu.memory_space<vmem>>, vector<1x64xf32>
    %add3A = vector.broadcast %get3A_15 : vector<1x64xf32> to vector<640x64xf32>
    %add3A_16 = arith.addf %dot_general3A_12, %add3A : vector<640x64xf32>
    %swap3A_17 = arith.constant 0 : index
    %swap3A_18 = arith.constant 0 : index
    %swap3A_19 = vector.load %arg6[%swap3A_17, %swap3A_18] : memref<640x64xf32, #tpu.memory_space<vmem>>, vector<640x64xf32>
    tpu.vector_store %arg6[%swap3A_17, %swap3A_18], %add3A_16 {strides = array<i32>} : memref<640x64xf32, #tpu.memory_space<vmem>>, vector<640x64xf32>,
    return
  }
  func.func @transform_0(%arg0: i32) -> (i32, i32) {
    %c0_i32 = arith.constant 0 : i32
    %c0_i32_0 = arith.constant 0 : i32
    return %arg0, %c0_i32 : i32, i32
  }
  func.func @transform_1(%arg0: i32) -> (i32, i32) {
    %c0_i32 = arith.constant 0 : i32
    %c0_i32_0 = arith.constant 0 : i32
    %c0_i32_1 = arith.constant 0 : i32
    return %c0_i32, %c0_i32_0 : i32, i32
  }
  func.func @transform_2(%arg0: i32) -> (i32, i32) {
    %c0_i32 = arith.constant 0 : i32
    %c0_i32_0 = arith.constant 0 : i32
    %c0_i32_1 = arith.constant 0 : i32
    return %c0_i32, %c0_i32_0 : i32, i32
  }
  func.func @transform_3(%arg0: i32) -> (i32, i32) {
    %c0_i32 = arith.constant 0 : i32
    %c0_i32_0 = arith.constant 0 : i32
    %c0_i32_1 = arith.constant 0 : i32
    return %c0_i32, %c0_i32_0 : i32, i32
  }
  func.func @transform_4(%arg0: i32) -> (i32, i32) {
    %c0_i32 = arith.constant 0 : i32
    %c0_i32_0 = arith.constant 0 : i32
    return %arg0, %c0_i32 : i32, i32
  }
  func.func @transform_5(%arg0: i32) -> (i32, i32) {
    %c0_i32 = arith.constant 0 : i32
    %c0_i32_0 = arith.constant 0 : i32
    return %arg0, %c0_i32 : i32, i32
  }
}

module attributes {stable_mosaic.version = 14 : i64} {
  func.func @_tc_mid_body(%arg0: i32, %arg1: memref<2x640x64xf32, #tpu.memory_space<vmem>>, %arg2: memref<2x640x16xf32, #tpu.memory_space<vmem>>, %arg3: memref<640x64xf32, #tpu.memory_space<vmem>>, %arg4: memref<64x32xf32, #tpu.memory_space<vmem>>, %arg5: memref<64x32xf32, #tpu.memory_space<vmem>>, %arg6: memref<1x32xf32, #tpu.memory_space<vmem>>, %arg7: memref<640x32xf32, #tpu.memory_space<vmem>>, %arg8: memref<640x32xf32, #tpu.memory_space<vmem>>) attributes {dimension_semantics = [#tpu.dimension_semantics<arbitrary>], iteration_bounds = array<i64: 16>, scalar_prefetch = 0 : i64, scratch_operands = 0 : i64, tpu.core_type = #tpu.core_type<tc>, window_params = [{transform_indices = @transform_0, window_bounds = array<i64: 2, 640, 64>}, {transform_indices = @transform_1, window_bounds = array<i64: 2, 640, 16>}, {transform_indices = @transform_2, window_bounds = array<i64: 640, 64>}, {pipeline_mode = #tpu.pipeline_mode<synchronous>, transform_indices = @transform_3, window_bounds = array<i64: 64, 32>}, {pipeline_mode = #tpu.pipeline_mode<synchronous>, transform_indices = @transform_4, window_bounds = array<i64: 64, 32>}, {pipeline_mode = #tpu.pipeline_mode<synchronous>, transform_indices = @transform_5, window_bounds = array<i64: 1, 32>}, {transform_indices = @transform_6, window_bounds = array<i64: 640, 32>}, {transform_indices = @transform_7, window_bounds = array<i64: 640, 32>}]} {
    %get3A = arith.constant 0 : index
    %get3A_0 = arith.constant 0 : index
    %get3A_1 = arith.constant 0 : index
    %get3A_2 = vector.load %arg1[%get3A, %get3A_0, %get3A_1] : memref<2x640x64xf32, #tpu.memory_space<vmem>>, vector<2x640x64xf32>
    %get3A_3 = arith.constant 0 : index
    %get3A_4 = arith.constant 0 : index
    %get3A_5 = arith.constant 0 : index
    %get3A_6 = vector.load %arg2[%get3A_3, %get3A_4, %get3A_5] : memref<2x640x16xf32, #tpu.memory_space<vmem>>, vector<2x640x16xf32>
    %slice3A = vector.extract_strided_slice %get3A_6 {offsets = [0, 0, 0], sizes = [1, 640, 1], strides = [1, 1, 1]} : vector<2x640x16xf32> to vector<1x640x1xf32>
    %squeeze3A = vector.shape_cast %slice3A : vector<1x640x1xf32> to vector<640x1xf32>
    %slice3A_7 = vector.extract_strided_slice %get3A_6 {offsets = [1, 0, 0], sizes = [1, 640, 1], strides = [1, 1, 1]} : vector<2x640x16xf32> to vector<1x640x1xf32>
    %squeeze3A_8 = vector.shape_cast %slice3A_7 : vector<1x640x1xf32> to vector<640x1xf32>
    %add3A = arith.addf %squeeze3A, %squeeze3A_8 : vector<640x1xf32>
    %max3A = arith.constant 1.000000e+00 : f32
    %max3A_9 = vector.broadcast %max3A : f32 to vector<640x1xf32>
    %max3A_10 = arith.maximumf %add3A, %max3A_9 : vector<640x1xf32>
    %slice3A_11 = vector.extract_strided_slice %get3A_2 {offsets = [0, 0, 0], sizes = [1, 640, 64], strides = [1, 1, 1]} : vector<2x640x64xf32> to vector<1x640x64xf32>
    %squeeze3A_12 = vector.shape_cast %slice3A_11 : vector<1x640x64xf32> to vector<640x64xf32>
    %slice3A_13 = vector.extract_strided_slice %get3A_2 {offsets = [1, 0, 0], sizes = [1, 640, 64], strides = [1, 1, 1]} : vector<2x640x64xf32> to vector<1x640x64xf32>
    %squeeze3A_14 = vector.shape_cast %slice3A_13 : vector<1x640x64xf32> to vector<640x64xf32>
    %add3A_15 = arith.addf %squeeze3A_12, %squeeze3A_14 : vector<640x64xf32>
    %div3A = vector.broadcast %max3A_10 : vector<640x1xf32> to vector<640x64xf32>
    %div3A_16 = arith.divf %add3A_15, %div3A : vector<640x64xf32>
    %get3A_17 = arith.constant 0 : index
    %get3A_18 = arith.constant 0 : index
    %get3A_19 = vector.load %arg3[%get3A_17, %get3A_18] : memref<640x64xf32, #tpu.memory_space<vmem>>, vector<640x64xf32>
    %add3A_20 = arith.addf %div3A_16, %get3A_19 : vector<640x64xf32>
    %max3A_21 = arith.constant 0.000000e+00 : f32
    %max3A_22 = vector.broadcast %max3A_21 : f32 to vector<640x64xf32>
    %max3A_23 = arith.maximumf %add3A_20, %max3A_22 : vector<640x64xf32>
    %get3A_24 = arith.constant 0 : index
    %get3A_25 = arith.constant 0 : index
    %get3A_26 = vector.load %arg4[%get3A_24, %get3A_25] : memref<64x32xf32, #tpu.memory_space<vmem>>, vector<64x32xf32>
    %dot_general3A = arith.constant dense<0.000000e+00> : vector<640x32xf32>
    %dot_general3A_27 = tpu.matmul %max3A_23, %get3A_26, %dot_general3A {dimension_numbers = #tpu.dot_dimension_numbers<[1], [0], [0], [1], [0, 0, 1, 1], [], []>, transpose_lhs_hint = false} : vector<640x64xf32>, vector<64x32xf32>, vector<640x32xf32> -> vector<640x32xf32>
    %swap3A = arith.constant 0 : index
    %swap3A_28 = arith.constant 0 : index
    %swap3A_29 = vector.load %arg7[%swap3A, %swap3A_28] : memref<640x32xf32, #tpu.memory_space<vmem>>, vector<640x32xf32>
    tpu.vector_store %arg7[%swap3A, %swap3A_28], %dot_general3A_27 {strides = array<i32>} : memref<640x32xf32, #tpu.memory_space<vmem>>, vector<640x32xf32>,
    %get3A_30 = arith.constant 0 : index
    %get3A_31 = arith.constant 0 : index
    %get3A_32 = vector.load %arg5[%get3A_30, %get3A_31] : memref<64x32xf32, #tpu.memory_space<vmem>>, vector<64x32xf32>
    %dot_general3A_33 = arith.constant dense<0.000000e+00> : vector<640x32xf32>
    %dot_general3A_34 = tpu.matmul %max3A_23, %get3A_32, %dot_general3A_33 {dimension_numbers = #tpu.dot_dimension_numbers<[1], [0], [0], [1], [0, 0, 1, 1], [], []>, transpose_lhs_hint = false} : vector<640x64xf32>, vector<64x32xf32>, vector<640x32xf32> -> vector<640x32xf32>
    %get3A_35 = arith.constant 0 : index
    %get3A_36 = arith.constant 0 : index
    %get3A_37 = vector.load %arg6[%get3A_35, %get3A_36] : memref<1x32xf32, #tpu.memory_space<vmem>>, vector<1x32xf32>
    %add3A_38 = vector.broadcast %get3A_37 : vector<1x32xf32> to vector<640x32xf32>
    %add3A_39 = arith.addf %dot_general3A_34, %add3A_38 : vector<640x32xf32>
    %swap3A_40 = arith.constant 0 : index
    %swap3A_41 = arith.constant 0 : index
    %swap3A_42 = vector.load %arg8[%swap3A_40, %swap3A_41] : memref<640x32xf32, #tpu.memory_space<vmem>>, vector<640x32xf32>
    tpu.vector_store %arg8[%swap3A_40, %swap3A_41], %add3A_39 {strides = array<i32>} : memref<640x32xf32, #tpu.memory_space<vmem>>, vector<640x32xf32>,
    return
  }
  func.func @transform_0(%arg0: i32) -> (i32, i32, i32) {
    %c0_i32 = arith.constant 0 : i32
    %c0_i32_0 = arith.constant 0 : i32
    %c0_i32_1 = arith.constant 0 : i32
    return %c0_i32, %arg0, %c0_i32_0 : i32, i32, i32
  }
  func.func @transform_1(%arg0: i32) -> (i32, i32, i32) {
    %c0_i32 = arith.constant 0 : i32
    %c0_i32_0 = arith.constant 0 : i32
    %c0_i32_1 = arith.constant 0 : i32
    return %c0_i32, %arg0, %c0_i32_0 : i32, i32, i32
  }
  func.func @transform_2(%arg0: i32) -> (i32, i32) {
    %c0_i32 = arith.constant 0 : i32
    %c0_i32_0 = arith.constant 0 : i32
    return %arg0, %c0_i32 : i32, i32
  }
  func.func @transform_3(%arg0: i32) -> (i32, i32) {
    %c0_i32 = arith.constant 0 : i32
    %c0_i32_0 = arith.constant 0 : i32
    %c0_i32_1 = arith.constant 0 : i32
    return %c0_i32, %c0_i32_0 : i32, i32
  }
  func.func @transform_4(%arg0: i32) -> (i32, i32) {
    %c0_i32 = arith.constant 0 : i32
    %c0_i32_0 = arith.constant 0 : i32
    %c0_i32_1 = arith.constant 0 : i32
    return %c0_i32, %c0_i32_0 : i32, i32
  }
  func.func @transform_5(%arg0: i32) -> (i32, i32) {
    %c0_i32 = arith.constant 0 : i32
    %c0_i32_0 = arith.constant 0 : i32
    %c0_i32_1 = arith.constant 0 : i32
    return %c0_i32, %c0_i32_0 : i32, i32
  }
  func.func @transform_6(%arg0: i32) -> (i32, i32) {
    %c0_i32 = arith.constant 0 : i32
    %c0_i32_0 = arith.constant 0 : i32
    return %arg0, %c0_i32 : i32, i32
  }
  func.func @transform_7(%arg0: i32) -> (i32, i32) {
    %c0_i32 = arith.constant 0 : i32
    %c0_i32_0 = arith.constant 0 : i32
    return %arg0, %c0_i32 : i32, i32
  }
}

module attributes {stable_mosaic.version = 14 : i64} {
  func.func @_tc3_body(%arg0: i32, %arg1: memref<2x640x32xf32, #tpu.memory_space<vmem>>, %arg2: memref<2x640x16xf32, #tpu.memory_space<vmem>>, %arg3: memref<640x32xf32, #tpu.memory_space<vmem>>, %arg4: memref<32x2xf32, #tpu.memory_space<vmem>>, %arg5: memref<1x2xf32, #tpu.memory_space<vmem>>, %arg6: memref<640x2xf32, #tpu.memory_space<vmem>>) attributes {dimension_semantics = [#tpu.dimension_semantics<arbitrary>], iteration_bounds = array<i64: 16>, scalar_prefetch = 0 : i64, scratch_operands = 0 : i64, tpu.core_type = #tpu.core_type<tc>, window_params = [{transform_indices = @transform_0, window_bounds = array<i64: 2, 640, 32>}, {transform_indices = @transform_1, window_bounds = array<i64: 2, 640, 16>}, {transform_indices = @transform_2, window_bounds = array<i64: 640, 32>}, {pipeline_mode = #tpu.pipeline_mode<synchronous>, transform_indices = @transform_3, window_bounds = array<i64: 32, 2>}, {pipeline_mode = #tpu.pipeline_mode<synchronous>, transform_indices = @transform_4, window_bounds = array<i64: 1, 2>}, {transform_indices = @transform_5, window_bounds = array<i64: 640, 2>}]} {
    %get3A = arith.constant 0 : index
    %get3A_0 = arith.constant 0 : index
    %get3A_1 = arith.constant 0 : index
    %get3A_2 = vector.load %arg1[%get3A, %get3A_0, %get3A_1] : memref<2x640x32xf32, #tpu.memory_space<vmem>>, vector<2x640x32xf32>
    %get3A_3 = arith.constant 0 : index
    %get3A_4 = arith.constant 0 : index
    %get3A_5 = arith.constant 0 : index
    %get3A_6 = vector.load %arg2[%get3A_3, %get3A_4, %get3A_5] : memref<2x640x16xf32, #tpu.memory_space<vmem>>, vector<2x640x16xf32>
    %slice3A = vector.extract_strided_slice %get3A_6 {offsets = [0, 0, 0], sizes = [1, 640, 1], strides = [1, 1, 1]} : vector<2x640x16xf32> to vector<1x640x1xf32>
    %squeeze3A = vector.shape_cast %slice3A : vector<1x640x1xf32> to vector<640x1xf32>
    %slice3A_7 = vector.extract_strided_slice %get3A_6 {offsets = [1, 0, 0], sizes = [1, 640, 1], strides = [1, 1, 1]} : vector<2x640x16xf32> to vector<1x640x1xf32>
    %squeeze3A_8 = vector.shape_cast %slice3A_7 : vector<1x640x1xf32> to vector<640x1xf32>
    %add3A = arith.addf %squeeze3A, %squeeze3A_8 : vector<640x1xf32>
    %max3A = arith.constant 1.000000e+00 : f32
    %max3A_9 = vector.broadcast %max3A : f32 to vector<640x1xf32>
    %max3A_10 = arith.maximumf %add3A, %max3A_9 : vector<640x1xf32>
    %slice3A_11 = vector.extract_strided_slice %get3A_2 {offsets = [0, 0, 0], sizes = [1, 640, 32], strides = [1, 1, 1]} : vector<2x640x32xf32> to vector<1x640x32xf32>
    %squeeze3A_12 = vector.shape_cast %slice3A_11 : vector<1x640x32xf32> to vector<640x32xf32>
    %slice3A_13 = vector.extract_strided_slice %get3A_2 {offsets = [1, 0, 0], sizes = [1, 640, 32], strides = [1, 1, 1]} : vector<2x640x32xf32> to vector<1x640x32xf32>
    %squeeze3A_14 = vector.shape_cast %slice3A_13 : vector<1x640x32xf32> to vector<640x32xf32>
    %add3A_15 = arith.addf %squeeze3A_12, %squeeze3A_14 : vector<640x32xf32>
    %div3A = vector.broadcast %max3A_10 : vector<640x1xf32> to vector<640x32xf32>
    %div3A_16 = arith.divf %add3A_15, %div3A : vector<640x32xf32>
    %get3A_17 = arith.constant 0 : index
    %get3A_18 = arith.constant 0 : index
    %get3A_19 = vector.load %arg3[%get3A_17, %get3A_18] : memref<640x32xf32, #tpu.memory_space<vmem>>, vector<640x32xf32>
    %add3A_20 = arith.addf %div3A_16, %get3A_19 : vector<640x32xf32>
    %max3A_21 = arith.constant 0.000000e+00 : f32
    %max3A_22 = vector.broadcast %max3A_21 : f32 to vector<640x32xf32>
    %max3A_23 = arith.maximumf %add3A_20, %max3A_22 : vector<640x32xf32>
    %get3A_24 = arith.constant 0 : index
    %get3A_25 = arith.constant 0 : index
    %get3A_26 = vector.load %arg4[%get3A_24, %get3A_25] : memref<32x2xf32, #tpu.memory_space<vmem>>, vector<32x2xf32>
    %dot_general3A = arith.constant dense<0.000000e+00> : vector<640x2xf32>
    %dot_general3A_27 = tpu.matmul %max3A_23, %get3A_26, %dot_general3A {dimension_numbers = #tpu.dot_dimension_numbers<[1], [0], [0], [1], [0, 0, 1, 1], [], []>, transpose_lhs_hint = false} : vector<640x32xf32>, vector<32x2xf32>, vector<640x2xf32> -> vector<640x2xf32>
    %get3A_28 = arith.constant 0 : index
    %get3A_29 = arith.constant 0 : index
    %get3A_30 = vector.load %arg5[%get3A_28, %get3A_29] : memref<1x2xf32, #tpu.memory_space<vmem>>, vector<1x2xf32>
    %add3A_31 = vector.broadcast %get3A_30 : vector<1x2xf32> to vector<640x2xf32>
    %add3A_32 = arith.addf %dot_general3A_27, %add3A_31 : vector<640x2xf32>
    %swap3A = arith.constant 0 : index
    %swap3A_33 = arith.constant 0 : index
    %swap3A_34 = vector.load %arg6[%swap3A, %swap3A_33] : memref<640x2xf32, #tpu.memory_space<vmem>>, vector<640x2xf32>
    tpu.vector_store %arg6[%swap3A, %swap3A_33], %add3A_32 {strides = array<i32>} : memref<640x2xf32, #tpu.memory_space<vmem>>, vector<640x2xf32>,
    return
  }
  func.func @transform_0(%arg0: i32) -> (i32, i32, i32) {
    %c0_i32 = arith.constant 0 : i32
    %c0_i32_0 = arith.constant 0 : i32
    %c0_i32_1 = arith.constant 0 : i32
    return %c0_i32, %arg0, %c0_i32_0 : i32, i32, i32
  }
  func.func @transform_1(%arg0: i32) -> (i32, i32, i32) {
    %c0_i32 = arith.constant 0 : i32
    %c0_i32_0 = arith.constant 0 : i32
    %c0_i32_1 = arith.constant 0 : i32
    return %c0_i32, %arg0, %c0_i32_0 : i32, i32, i32
  }
  func.func @transform_2(%arg0: i32) -> (i32, i32) {
    %c0_i32 = arith.constant 0 : i32
    %c0_i32_0 = arith.constant 0 : i32
    return %arg0, %c0_i32 : i32, i32
  }
  func.func @transform_3(%arg0: i32) -> (i32, i32) {
    %c0_i32 = arith.constant 0 : i32
    %c0_i32_0 = arith.constant 0 : i32
    %c0_i32_1 = arith.constant 0 : i32
    return %c0_i32, %c0_i32_0 : i32, i32
  }
  func.func @transform_4(%arg0: i32) -> (i32, i32) {
    %c0_i32 = arith.constant 0 : i32
    %c0_i32_0 = arith.constant 0 : i32
    %c0_i32_1 = arith.constant 0 : i32
    return %c0_i32, %c0_i32_0 : i32, i32
  }
  func.func @transform_5(%arg0: i32) -> (i32, i32) {
    %c0_i32 = arith.constant 0 : i32
    %c0_i32_0 = arith.constant 0 : i32
    return %arg0, %c0_i32 : i32, i32
  }
}

</mosaic_0001>

<sc_bundles>
// kernel: kernel.10.cloned.1.call-start
scs
__scs_entry_jumppad:
0x0: {  	(pc) =	sbr.rel $0x88, $3  }
0x1: {  	(tag) =	ssettag $0x0;
	lr =	simm.s32 $0x1  }
0x2: {  	[smem:$0x3F97] =	sst lr;
	_ =	strace $0xD0000000  }
0x3: {  	_ = 	snop  }
0x4: {  	_ = 	snop  }
0x5: {  	_ = 	snop  }
0x6: {  	_ = 	snop  }
0x7: {  	_ = 	snop  }
__scs_overlays_trampoline_lowered:
0x8: {  	[smem:$0x3FA6] =	sst s0  }
0x9: {  	[smem:$0x3FA7] =	sst s1  }
0xa: {  	[smem:$0x3FA8] =	sst s2  }
0xb: {  	[smem:$0x3FA9] =	sst s3  }
0xc: {  	[smem:$0x3FAA] =	sst s4  }
0xd: {  	[smem:$0x3FAB] =	sst s5  }
0xe: {  	[smem:$0x3FAC] =	sst s6  }
0xf: {  	[smem:$0x3FAD] =	sst s7  }
0x10: {  	[smem:$0x3FAE] =	sst s8  }
0x11: {  	[smem:$0x3FAF] =	sst s9;
	s0 =	simm.s32 @!p0 $0x0  }
0x12: {  	s1 =	sld [smem:$0x3F95];
	s0 =	simm.s32 @p0 $0x1  }
0x13: {  	[smem:$0x3FB0] =	sst s0;
	s0 =	simm.s32 @!p1 $0x0  }
0x14: {  	s2 =	sld [smem:$0x3F94];
	s0 =	simm.s32 @p1 $0x1  }
0x15: {  	[smem:$0x3FB1] =	sst s0;
	s0 =	simm.s32 @!p2 $0x0  }
0x16: {  	s3 =	sld [smem:$0x3FDB];
	s0 =	simm.s32 @p2 $0x1  }
0x17: {  	s4 =	simm.s32 $0x1BF5;
	[smem:$0x3FB3] =	sst s0  }
0x18: {  	s0 =	sld [smem:$0x3F96];
	_ =	swait.ge [sflag:s4], $0x0  }
0x19: {  	s7 =	sld [smem:$0x3F97]  }
0x1a: {  	s8 =	sadd.s32 $0xFFFFE003, lr  }
0x1b: {  	s9 =	sadd.s32 $0xFFFFFEF7, lr;
	s5 =	simm.s32 $0xFFFFFFFF;
	p2 =	slt.u32 s8, $0xFFFFF086  }
0x1c: {  	p1 =	slt.u32 s9, $0xF7A;
	s5 =	simm.s32 @!p2 $0x0  }
0x1d: {  	s5 =	simm.s32 @p1 $0x1;
	p0 =	seq.s32 s7, s2  }
0x1e: {  	s7 =	smul.u32 @!p0 $0xF7A, s2;
	p2 =	seq.s32 @!p0 s5, $0x0  }
0x1f: {  	s9 =	smul.u32 $0xF7A, s1;
	s8 =	simm.s32 @!p0 $0x1BF5;
	p2 =	por !p2, p0  }
0x20: {  	[sflag:s8] =	ssyncset.s32 @!p0 $0xFFFFF086;
	s6 =	sadd.s32 @!p0 s3, s7;
	s7 =	simm.s32 @!p0 $0x108  }
0x21: {  	s3 =	sadd.s32 s3, s9;
	s6 =	sadd.s32 @!p0 $0x88, s6;
	s7 =	simm.s32 @p2 $0x1082  }
0x22: {  	[simem:s7], [sflag:s8] =	dma.local @!p0 [hbm:s6], $0xF7A  }
0x23: {  	s9 =	sor.u32 $0xD0000000, s2;
	s6 =	simm.s32 $0x108;
	_ =	swait.ge @!p0 [sflag:s8], $0x0  }
0x24: {  	s3 =	sadd.s32 $0x88, s3;
	s6 =	simm.s32 @!p1 $0x1082;
	[sflag:s4] =	ssyncset.s32 $0xFFFFF086  }
0x25: {  	[simem:s6], [sflag:s4] =	dma.local [hbm:s3], $0xF7A  }
0x26: {  	[smem:$0x3F97] =	sst s1;
	(tag) =	ssettag s2;
	_ =	strace s9  }
0x27: {  	s1 =	sld [smem:$0x3FA7]  }
0x28: {  	s2 =	sld [smem:$0x3FA8]  }
0x29: {  	s4 =	sld [smem:$0x3FAA]  }
0x2a: {  	p0 =	seq.s32 s5, $0x0;
	s5 =	sld [smem:$0x3FAB]  }
0x2b: {  	s6 =	sld [smem:$0x3FAC]  }
0x2c: {  	s7 =	sld [smem:$0x3FAD]  }
0x2d: {  	s3 =	simm.s32 $0x108;
	s8 =	sld [smem:$0x3FAE]  }
0x2e: {  	s3 =	simm.s32 @!p0 $0x1082;
	s9 =	sld [smem:$0x3FAF]  }
0x2f: {  	lr =	sadd.s32 s0, s3;
	s0 =	sld [smem:$0x3FA6]  }
0x30: {  	s3 =	sld [smem:$0x3FA9]  }
0x31: {  	[smem:$0x3FB2] =	sst s10  }
0x32: {  	s10 =	sld [smem:$0x3FB0];
	_ =	sdelay $0x3  }
0x33: {  	p0 =	seq.s32 s10, $0x1;
	s10 =	sld [smem:$0x3FB2];
	_ =	sdelay $0x3  }
0x34: {  	[smem:$0x3FB2] =	sst s10  }
0x35: {  	s10 =	sld [smem:$0x3FB1];
	_ =	sdelay $0x3  }
0x36: {  	p1 =	seq.s32 s10, $0x1;
	s10 =	sld [smem:$0x3FB2];
	_ =	sdelay $0x3  }
0x37: {  	[smem:$0x3FB2] =	sst s10  }
0x38: {  	s10 =	sld [smem:$0x3FB3]  }
0x39: {  	_ = 	snop;
	(pc) =	sbr.ind lr, $3  }
0x3a: {  	_ = 	snop  }
0x3b: {  	_ = 	snop  }
0x3c: {  	p2 =	seq.s32 s10, $0x1;
	s10 =	sld [smem:$0x3FB2]  }
0x3d: {  	_ =	shalt  }
0x3e: {  	_ =	shalt  }
0x3f: {  	_ =	shalt  }
0x40: {  	_ =	shalt  }
0x41: {  	_ =	shalt  }
0x42: {  	_ =	shalt  }
0x43: {  	_ =	shalt  }
0x44: {  	_ =	shalt  }
0x45: {  	_ =	shalt  }
0x46: {  	_ =	shalt  }
0x47: {  	_ =	shalt  }
0x48: {  	_ =	shalt  }
0x49: {  	_ =	shalt  }
0x4a: {  	_ =	shalt  }
0x4b: {  	_ =	shalt  }
0x4c: {  	_ =	shalt  }
0x4d: {  	_ =	shalt  }
0x4e: {  	_ =	shalt  }
0x4f: {  	_ =	shalt  }
0x50: {  	_ =	shalt  }
0x51: {  	_ =	shalt  }
0x52: {  	_ =	shalt  }
0x53: {  	_ =	shalt  }
0x54: {  	_ =	shalt  }
0x55: {  	_ =	shalt  }
0x56: {  	_ =	shalt  }
0x57: {  	_ =	shalt  }
0x58: {  	_ =	shalt  }
0x59: {  	_ =	shalt  }
0x5a: {  	_ =	shalt  }
0x5b: {  	_ =	shalt  }
0x5c: {  	_ =	shalt  }
0x5d: {  	_ =	shalt  }
0x5e: {  	_ =	shalt  }
0x5f: {  	_ =	shalt  }
0x60: {  	_ =	shalt  }
0x61: {  	_ =	shalt  }
0x62: {  	_ =	shalt  }
0x63: {  	_ =	shalt  }
0x64: {  	_ =	shalt  }
0x65: {  	_ =	shalt  }
0x66: {  	_ =	shalt  }
0x67: {  	_ =	shalt  }
0x68: {  	_ =	shalt  }
0x69: {  	_ =	shalt  }
0x6a: {  	_ =	shalt  }
0x6b: {  	_ =	shalt  }
0x6c: {  	_ =	shalt  }
0x6d: {  	_ =	shalt  }
0x6e: {  	_ =	shalt  }
0x6f: {  	_ =	shalt  }
0x70: {  	_ =	shalt  }
0x71: {  	_ =	shalt  }
0x72: {  	_ =	shalt  }
0x73: {  	_ =	shalt  }
0x74: {  	_ =	shalt  }
0x75: {  	_ =	shalt  }
0x76: {  	_ =	shalt  }
0x77: {  	_ =	shalt  }
0x78: {  	_ =	shalt  }
0x79: {  	_ =	shalt  }
0x7a: {  	_ =	shalt  }
0x7b: {  	_ =	shalt  }
0x7c: {  	_ =	shalt  }
0x7d: {  	_ =	shalt  }
0x7e: {  	_ =	shalt  }
0x7f: {  	_ =	shalt  }
0x80: {  	_ =	shalt  }
0x81: {  	_ =	shalt  }
0x82: {  	_ =	shalt  }
0x83: {  	_ =	shalt  }
0x84: {  	_ =	shalt  }
0x85: {  	_ =	shalt  }
0x86: {  	_ =	shalt  }
0x87: {  	_ =	shalt  }
.Lfunc_end0:
.L_simem_size_0:
called_computation.1_lowered:
.L_overlay_start_0:
0x88: {  	s2 =	sld [smem:$0x3FD9]  }
0x89: {  	s3 =	sld [smem:$0x3FFE];
	_ =	sdelay $0x1  }
0x8a: {  	s1 =	srdreg.scid  }
0x8b: {  	s0 =	sand.u32 $0x1, s1  }
0x8c: {  	s16 =	sshll.u32 s0, $0xA;
	s2 =	sadd.s32 s3, s2  }
0x8d: {  	s2 =	sadd.s32 s2, s16  }
0x8e: {  	[smem:$0x3FBE] =	sst s2  }
0x8f: {  	_ = 	snop  }
0x90: {  	(tm) =	ssettm $0x1  }
0x91: {  	s17 =	sld [smem:$0x3FFB];
	_ =	sdelay $0x3  }
0x92: {  	_ =	strace s17  }
0x93: {  	s2 =	sld [smem:$0x3FFC];
	_ =	sdelay $0x3  }
0x94: {  	_ =	strace s2  }
0x95: {  	s2 =	sld [smem:$0x3FFD];
	_ =	sdelay $0x3  }
0x96: {  	_ =	strace s2  }
0x97: {  	_ =	strace $0x8FFFFFFF  }
0x98: {  	s18 =	sld [smem:$0x3FDB];
	_ =	sdelay $0x1  }
0x99: {  	s19 =	simm.s32 $_scs_section_size  }
0x9a: {  	s4 =	simm.s32 $_size__tile_overlayer_lowered;
	s5 =	simm.s32 $_tile_overlayer_lowered  }
0x9b: {  	s22 =	simm.s32 $0x1BFF;
	s21 =	sshll.u32 s5, $0x1;
	s2 =	sadd.s32 s19, s18  }
0x9c: {  	s6 =	simm.s32 $0x0;
	s20 =	sshll.u32 s4, $0x1;
	s4 =	sadd.s32 s21, s2  }
0x9d: {  	[timem:s6], [sflag:s22] =	dma.local [hbm:s4], s20  }
0x9e: {  	_ =	swait.ge [sflag:s22], s20  }
0x9f: {  	s3 =	ssub.s32 $0x0, s20;
	[sflag:s22] =	ssyncset.done $0x0  }
0xa0: {  	[sflag:s22] =	ssyncadd.s32 s3;
	_ =	sdelay $0x1  }
0xa1: {  	s23 =	simm.s32 $0x1B8B  }
0xa2: {  	_ =	swait.ge [sflag:s23], $0x1  }
0xa3: {  	[sflag:s23] =	ssyncset.done $0x0  }
0xa4: {  	s25 =	simm.s32 $0x1B8E;
	s24 =	sld [smem:$0x3FFE];
	[sflag:s23] =	ssyncadd.s32 $0xFFFFFFFF  }
0xa5: {  	s26 =	simm.s32 $execute0_lowered;
	[smem:$0x3FD2] =	sst s25  }
0xa6: {  	s4 =	sshll.u32 s26, $0x1;
	_ =	strace $0x80000049;
	[dreg:$0x1] =	wrdreg $0xFFFFFFFF  }
0xa7: {  	s28 =	simm.s32 $_size_execute0_lowered;
	s2 =	sadd.s32 s2, s4;
	[dreg:$0x0] =	wrdreg $0x0  }
0xa8: {  	s4 =	sshll.u32 s28, $0x1;
	[dreg:$0x2] =	wrdreg s2  }
0xa9: {  	[dreg:$0x3] =	wrdreg s4  }
0xaa: {  	[dreg:$0x4] =	wrdreg $0xC0  }
0xab: {  	_ =	task [dreg:s6], $0x5FFFF  }
0xac: {  	[dreg:$0x1] =	wrdreg $0xFFFFFFFF  }
0xad: {  	[dreg:$0x0] =	wrdreg $0x60  }
0xae: {  	[dreg:$0x2] =	wrdreg s24  }
0xaf: {  	[dreg:$0x3] =	wrdreg $0x58200  }
0xb0: {  	[dreg:$0x4] =	wrdreg $0x9  }
0xb1: {  	_ =	task.clear_ibuf [dreg:s6], $0x5FFFF;
	_ =	strace $0x90000049  }
0xb2: {  	s29 =	simm.s32 $0x9;
	_ =	strace $0x8000004B  }
0xb3: {  	_ =	swait.ge [sflag:s29], $0x1  }
0xb4: {  	[sflag:s29] =	ssyncadd.s32 $0xFFFFFFFF  }
0xb5: {  	_ =	strace $0x9000004B  }
0xb6: {  	_ =	sfence  }
0xb7: {  	s30 =	sld [smem:$0x0];
	_ =	sdelay $0x2  }
0xb8: {  	s31 =	sshll.u32 s1, $0xD;
	s1 =	sshrl.u32 s1, $0x2  }
0xb9: {  	s3 =	sand.u32 $0x4000, s31;
	s1 =	sadd.s32 s1, s30  }
0xba: {  	s0 =	sor.u32 s3, s0;
	s1 =	sshll.u32 s1, $0x11  }
0xbb: {  	s0 =	sor.u32 s1, s0  }
0xbc: {  	s0 =	sadd.s32 $0x8F2B, s0  }
0xbd: {  	[sflag:s0] =	ssyncadd.remote.s32 $0x1  }
0xbe: {  	_ =	sfence.sel $0xFFFF  }
0xbf: {  	[dreg:$0x0] =	wrdreg $0xFFFFFFFF;
	(pc) =	sbr.abs _section_cstart, $3  }
0xc0: {  	[dreg:$0x1] =	wrdreg $0xFFFFFFFF  }
0xc1: {  	_ =	task.clear_ibuf [dreg:s6], $0x2FFFF;
	_ =	strace $0x9FFFFFFF  }
0xc2: {  	(tm) =	ssettm $0x7FFFFFFF  }
0xc3: {  	_ =	shalt  }
tec
execute0_lowered:
.L_overlay_start_1:
0x0: {  	(tag) =	ssettag $0x1  }
0x1: {  	s6 =	rddreg [dreg:$0x0]  }
0x2: {  	s2 =	rddreg [dreg:$0x1]  }
0x3: {  	s0 =	rddreg [dreg:$0x2];
	s3 =	srdreg.scid  }
0x4: {  	s1 =	stileid.u32;
	s13 =	simm.s32 $0x2710;
	s14 =	simm.s32 $0x50  }
0x5: {  	s15 =	simm.s32 $0x4E20;
	s16 =	simm.s32 $0x1;
	s17 =	simm.s32 $0x0  }
0x6: {  	s5 =	sand.u32 $0x1, s3;
	s4 =	sshll.u32 s1, $0x1;
	s7 =	smul.u32 $0x5000, s1  }
0x7: {  	s3 =	simm.s32 $0x0;
	s31 =	sshll.u32 s1, $0x6;
	s4 =	sor.u32 s5, s4  }
0x8: {  	s8 =	smul.u32 $0x50000, s5;
	[smem:$0x7FF] =	sst s3;
	s10 =	ssub.s32 $0x2, s5  }
0x9: {  	s5 =	sadd.s32 $0x1F800, s6;
	s9 =	smul.u32 $0x4E2, s4;
	_ =	strace $0x8000004A  }
0xa: {  	s4 =	sadd.s32 $0x15800, s6;
	s30 =	sshrl.u32 s10, $0x1;
	s8 =	sadd.s32 s7, s8  }
0xb: {  	s12 =	sadd.s32 s7, s2;
	s10 =	ssub.s32 s10, s30;
	s8 =	sshrl.u32 s8, $0x3  }
0xc: {  	s9 =	sadd.s32 s9, s6;
	s10 =	smax.u32 s10, $0x1;
	s11 =	sadd.s32 s8, s6  }
0xd: {  	s6 =	sor.u32 $0x1C02, s31;
	s7 =	sadd.s32 $0xBA00, s9;
	s8 =	sadd.s32 $0x1C00, s9  }
0xe: {  	s9 =	sadd.s32 $0x29A00, s11;
	s11 =	sshrl.u32 s12, $0x3;
	s12 =	simm.s32 $0x2  }
.LBB2_1:
0xf: {  	[spmem:s11], [sflag:s6] =	dma.local [hbm:s5], $0xA00  }
0x10: {  	_ =	swait.ge [sflag:s12], $0xA00  }
0x11: {  	[sflag:s12] =	ssyncset.done $0x0  }
0x12: {  	[sflag:s12] =	ssyncadd.s32 $0xFFFFF600  }
0x13: {  	[tilespmem:s3], [sflag:$0x2] =	stream.linear.gather [hbm4b:s7+s3], $0x2710, $0x38;
	[tilespmem:$0xA820] =	vst v63  }
0x14: {  	_ =	swait.ge [sflag:s12], $0x2710  }
0x15: {  	[sflag:s12] =	ssyncset.done $0x0  }
0x16: {  	[sflag:s12] =	ssyncadd.s32 $0xFFFFD8F0  }
0x17: {  	[tilespmem:s13], [sflag:$0x2] =	stream.linear.gather [hbm4b:s8+s3], $0x2710, $0x38;
	[tilespmem:$0xA820] =	vst v63  }
0x18: {  	_ =	swait.ge [sflag:s12], $0x2710  }
0x19: {  	[sflag:s12] =	ssyncset.done $0x0  }
0x1a: {  	[sflag:s12] =	ssyncadd.s32 $0xFFFFD8F0  }
0x1b: {  	s18 =	simm.s32 $0x0;
	[bflag:$0x0] =	sbarrier.arrive $0xFFFF  }
0x1c: {  	[tilespmem:s15], [sflag:$0x1] =	stream.indirect.gather [hbm4b:s4+s14], $0x20, s18, s14, $0xb8;
	[tilespmem:$0xA820] =	vst v63  }
0x1d: {  	_ =	swait.ge [sflag:s16], $0xA00  }
0x1e: {  	[sflag:s16] =	ssyncset.done $0x0  }
0x1f: {  	s31 =	simm.s32 $0x2710;
	[sflag:s16] =	ssyncadd.s32 $0xFFFFF600  }
0x20: {  	[spmem:s2] =	stream.indirect.scatter.add.f32 [tilespmem:s15], [sflag:$0x2], $0x20, s31, s14, $0xb8;
	[tilespmem:$0xA820] =	vst v63  }
0x21: {  	_ =	swait.ge [sflag:s12], $0xA00  }
0x22: {  	s19 =	simm.s32 $0x280;
	s18 =	simm.s32 $0x140;
	[sflag:s12] =	ssyncset.done $0x0  }
.LBB2_2:
0x23: {  	s20 =	sshra.s32 s18, $0x2  }
0x24: {  	[sflag:s12] =	ssyncadd.s32 $0xFFFFF600;
	s18 =	smov.u32 s19;
	s21 =	sadd.s32 $0x140, s19  }
0x25: {  	[tilespmem:s15], [sflag:$0x1] =	stream.indirect.gather [hbm4b:s4+s14], $0x20, s20, s14, $0xb8;
	[tilespmem:$0xA820] =	vst v63  }
0x26: {  	p0 =	sne.s32 s19, $0x9B00;
	_ =	swait.ge [sflag:s16], $0xA00  }
.Ltmp0:
0x27: {  	[sflag:s16] =	ssyncset.done $0x0;
	(pc) =	sbr.rel @p0 .LBB2_2-.Ltmp0, $4  }
0x28: {  	s19 =	sadd.s32 $0x2710, s20;
	[sflag:s16] =	ssyncadd.s32 $0xFFFFF600  }
0x29: {  	[spmem:s2] =	stream.indirect.scatter.add.f32 [tilespmem:s15], [sflag:$0x2], $0x20, s19, s14, $0xb8;
	[tilespmem:$0xA820] =	vst v63  }
0x2a: {  	_ =	swait.ge [sflag:s12], $0xA00  }
0x2b: {  	s19 =	smov.u32 s21;
	[sflag:s12] =	ssyncset.done $0x0  }
0x2c: {  	s18 =	sshra.s32 s18, $0x2;
	[sflag:s12] =	ssyncadd.s32 $0xFFFFF600  }
0x2d: {  	[tilespmem:s15], [sflag:$0x1] =	stream.indirect.gather [hbm4b:s4+s14], $0x20, s18, s14, $0xb8;
	[tilespmem:$0xA820] =	vst v63  }
0x2e: {  	_ =	swait.ge [sflag:s16], $0xA00  }
0x2f: {  	[sflag:s16] =	ssyncset.done $0x0  }
0x30: {  	s18 =	sadd.s32 $0x2710, s18;
	[sflag:s16] =	ssyncadd.s32 $0xFFFFF600  }
0x31: {  	[spmem:s2] =	stream.indirect.scatter.add.f32 [tilespmem:s15], [sflag:$0x2], $0x20, s18, s14, $0xb8;
	[tilespmem:$0xA820] =	vst v63  }
0x32: {  	_ =	swait.ge [sflag:s12], $0xA00  }
0x33: {  	s17 =	sadd.s32 $0x1, s17;
	[sflag:s12] =	ssyncset.done $0x0  }
0x34: {  	p0 =	sne.s32 s17, s10;
	[sflag:s12] =	ssyncadd.s32 $0xFFFFF600  }
.Ltmp1:
0x35: {  	[bflag:$0x0] =	sbarrier.arrive $0xFFFF;
	(pc) =	sbr.rel @p0 .LBB2_1-.Ltmp1, $4  }
0x36: {  	[hbm:s9], [sflag:s6] =	dma.local [spmem:s11], $0xA00  }
0x37: {  	_ =	swait.ge [sflag:s12], $0xA00  }
0x38: {  	[sflag:s12] =	ssyncset.done $0x0  }
0x39: {  	[sflag:s12] =	ssyncadd.s32 $0xFFFFF600  }
0x3a: {  	_ =	sfence.sel $0x180000  }
0x3b: {  	[bflag:$0x0] =	sbarrier.arrive $0xFFFF  }
0x3c: {  	p0 =	sne.s32 s1, $0x0;
	_ =	strace $0x9000004A  }
0x3d: {  	s0 =	sadd.s32 @!p0 $0x100000, s0;
	[bflag:$0x2] =	sbarrier.arrive $0xFFFF  }
0x3e: {  	[sflag:s0] =	ssyncadd.tile.s32 @!p0 $0x1;
	_ =	shalt  }
.Lfunc_end2:
_tile_overlayer_lowered:
.L_overlay_start_2:
0x3f: {  	(tag) =	ssettag $0x2  }
0x40: {  	s0 =	rddreg [dreg:$0x0];
	s2 =	stileid.u32  }
0x41: {  	s1 =	rddreg [dreg:$0x1];
	p0 =	sne.s32 s2, $0x0  }
0x42: {  	s3 =	rddreg [dreg:$0x2];
	[bflag:$0x3] =	sbarrier.arrive $0xFFFF;
	s2 =	simm.s32 @!p0 $0x1C02  }
0x43: {  	[timem:s3], [sflag:s2] =	dma.local @!p0 [hbm:s0], s1  }
0x44: {  	s0 =	simm.s32 @!p0 $0x2  }
0x45: {  	_ =	swait.ge @!p0 [sflag:s0], s1  }
0x46: {  	s1 =	ssub.s32 @!p0 $0x0, s1;
	[sflag:s0] =	ssyncset.done @!p0 $0x0  }
0x47: {  	[sflag:s0] =	ssyncadd.s32 @!p0 s1  }
0x48: {  	[bflag:$0x3] =	sbarrier.arrive $0xFFFF  }
0x49: {  	_ =	shalt  }

// kernel: kernel.7.cloned.1.call-start
scs
__scs_entry_jumppad:
0x0: {  	(pc) =	sbr.rel $0x88, $3  }
0x1: {  	(tag) =	ssettag $0x0;
	lr =	simm.s32 $0x1  }
0x2: {  	[smem:$0x3F97] =	sst lr;
	_ =	strace $0xD0000000  }
0x3: {  	_ = 	snop  }
0x4: {  	_ = 	snop  }
0x5: {  	_ = 	snop  }
0x6: {  	_ = 	snop  }
0x7: {  	_ = 	snop  }
__scs_overlays_trampoline_lowered:
0x8: {  	[smem:$0x3FA6] =	sst s0  }
0x9: {  	[smem:$0x3FA7] =	sst s1  }
0xa: {  	[smem:$0x3FA8] =	sst s2  }
0xb: {  	[smem:$0x3FA9] =	sst s3  }
0xc: {  	[smem:$0x3FAA] =	sst s4  }
0xd: {  	[smem:$0x3FAB] =	sst s5  }
0xe: {  	[smem:$0x3FAC] =	sst s6  }
0xf: {  	[smem:$0x3FAD] =	sst s7  }
0x10: {  	[smem:$0x3FAE] =	sst s8  }
0x11: {  	[smem:$0x3FAF] =	sst s9;
	s0 =	simm.s32 @!p0 $0x0  }
0x12: {  	s1 =	sld [smem:$0x3F95];
	s0 =	simm.s32 @p0 $0x1  }
0x13: {  	[smem:$0x3FB0] =	sst s0;
	s0 =	simm.s32 @!p1 $0x0  }
0x14: {  	s2 =	sld [smem:$0x3F94];
	s0 =	simm.s32 @p1 $0x1  }
0x15: {  	[smem:$0x3FB1] =	sst s0;
	s0 =	simm.s32 @!p2 $0x0  }
0x16: {  	s3 =	sld [smem:$0x3FDB];
	s0 =	simm.s32 @p2 $0x1  }
0x17: {  	s4 =	simm.s32 $0x1BF5;
	[smem:$0x3FB3] =	sst s0  }
0x18: {  	s0 =	sld [smem:$0x3F96];
	_ =	swait.ge [sflag:s4], $0x0  }
0x19: {  	s7 =	sld [smem:$0x3F97]  }
0x1a: {  	s8 =	sadd.s32 $0xFFFFE003, lr  }
0x1b: {  	s9 =	sadd.s32 $0xFFFFFEF7, lr;
	s5 =	simm.s32 $0xFFFFFFFF;
	p2 =	slt.u32 s8, $0xFFFFF086  }
0x1c: {  	p1 =	slt.u32 s9, $0xF7A;
	s5 =	simm.s32 @!p2 $0x0  }
0x1d: {  	s5 =	simm.s32 @p1 $0x1;
	p0 =	seq.s32 s7, s2  }
0x1e: {  	s7 =	smul.u32 @!p0 $0xF7A, s2;
	p2 =	seq.s32 @!p0 s5, $0x0  }
0x1f: {  	s9 =	smul.u32 $0xF7A, s1;
	s8 =	simm.s32 @!p0 $0x1BF5;
	p2 =	por !p2, p0  }
0x20: {  	[sflag:s8] =	ssyncset.s32 @!p0 $0xFFFFF086;
	s6 =	sadd.s32 @!p0 s3, s7;
	s7 =	simm.s32 @!p0 $0x108  }
0x21: {  	s3 =	sadd.s32 s3, s9;
	s6 =	sadd.s32 @!p0 $0x88, s6;
	s7 =	simm.s32 @p2 $0x1082  }
0x22: {  	[simem:s7], [sflag:s8] =	dma.local @!p0 [hbm:s6], $0xF7A  }
0x23: {  	s9 =	sor.u32 $0xD0000000, s2;
	s6 =	simm.s32 $0x108;
	_ =	swait.ge @!p0 [sflag:s8], $0x0  }
0x24: {  	s3 =	sadd.s32 $0x88, s3;
	s6 =	simm.s32 @!p1 $0x1082;
	[sflag:s4] =	ssyncset.s32 $0xFFFFF086  }
0x25: {  	[simem:s6], [sflag:s4] =	dma.local [hbm:s3], $0xF7A  }
0x26: {  	[smem:$0x3F97] =	sst s1;
	(tag) =	ssettag s2;
	_ =	strace s9  }
0x27: {  	s1 =	sld [smem:$0x3FA7]  }
0x28: {  	s2 =	sld [smem:$0x3FA8]  }
0x29: {  	s4 =	sld [smem:$0x3FAA]  }
0x2a: {  	p0 =	seq.s32 s5, $0x0;
	s5 =	sld [smem:$0x3FAB]  }
0x2b: {  	s6 =	sld [smem:$0x3FAC]  }
0x2c: {  	s7 =	sld [smem:$0x3FAD]  }
0x2d: {  	s3 =	simm.s32 $0x108;
	s8 =	sld [smem:$0x3FAE]  }
0x2e: {  	s3 =	simm.s32 @!p0 $0x1082;
	s9 =	sld [smem:$0x3FAF]  }
0x2f: {  	lr =	sadd.s32 s0, s3;
	s0 =	sld [smem:$0x3FA6]  }
0x30: {  	s3 =	sld [smem:$0x3FA9]  }
0x31: {  	[smem:$0x3FB2] =	sst s10  }
0x32: {  	s10 =	sld [smem:$0x3FB0];
	_ =	sdelay $0x3  }
0x33: {  	p0 =	seq.s32 s10, $0x1;
	s10 =	sld [smem:$0x3FB2];
	_ =	sdelay $0x3  }
0x34: {  	[smem:$0x3FB2] =	sst s10  }
0x35: {  	s10 =	sld [smem:$0x3FB1];
	_ =	sdelay $0x3  }
0x36: {  	p1 =	seq.s32 s10, $0x1;
	s10 =	sld [smem:$0x3FB2];
	_ =	sdelay $0x3  }
0x37: {  	[smem:$0x3FB2] =	sst s10  }
0x38: {  	s10 =	sld [smem:$0x3FB3]  }
0x39: {  	_ = 	snop;
	(pc) =	sbr.ind lr, $3  }
0x3a: {  	_ = 	snop  }
0x3b: {  	_ = 	snop  }
0x3c: {  	p2 =	seq.s32 s10, $0x1;
	s10 =	sld [smem:$0x3FB2]  }
0x3d: {  	_ =	shalt  }
0x3e: {  	_ =	shalt  }
0x3f: {  	_ =	shalt  }
0x40: {  	_ =	shalt  }
0x41: {  	_ =	shalt  }
0x42: {  	_ =	shalt  }
0x43: {  	_ =	shalt  }
0x44: {  	_ =	shalt  }
0x45: {  	_ =	shalt  }
0x46: {  	_ =	shalt  }
0x47: {  	_ =	shalt  }
0x48: {  	_ =	shalt  }
0x49: {  	_ =	shalt  }
0x4a: {  	_ =	shalt  }
0x4b: {  	_ =	shalt  }
0x4c: {  	_ =	shalt  }
0x4d: {  	_ =	shalt  }
0x4e: {  	_ =	shalt  }
0x4f: {  	_ =	shalt  }
0x50: {  	_ =	shalt  }
0x51: {  	_ =	shalt  }
0x52: {  	_ =	shalt  }
0x53: {  	_ =	shalt  }
0x54: {  	_ =	shalt  }
0x55: {  	_ =	shalt  }
0x56: {  	_ =	shalt  }
0x57: {  	_ =	shalt  }
0x58: {  	_ =	shalt  }
0x59: {  	_ =	shalt  }
0x5a: {  	_ =	shalt  }
0x5b: {  	_ =	shalt  }
0x5c: {  	_ =	shalt  }
0x5d: {  	_ =	shalt  }
0x5e: {  	_ =	shalt  }
0x5f: {  	_ =	shalt  }
0x60: {  	_ =	shalt  }
0x61: {  	_ =	shalt  }
0x62: {  	_ =	shalt  }
0x63: {  	_ =	shalt  }
0x64: {  	_ =	shalt  }
0x65: {  	_ =	shalt  }
0x66: {  	_ =	shalt  }
0x67: {  	_ =	shalt  }
0x68: {  	_ =	shalt  }
0x69: {  	_ =	shalt  }
0x6a: {  	_ =	shalt  }
0x6b: {  	_ =	shalt  }
0x6c: {  	_ =	shalt  }
0x6d: {  	_ =	shalt  }
0x6e: {  	_ =	shalt  }
0x6f: {  	_ =	shalt  }
0x70: {  	_ =	shalt  }
0x71: {  	_ =	shalt  }
0x72: {  	_ =	shalt  }
0x73: {  	_ =	shalt  }
0x74: {  	_ =	shalt  }
0x75: {  	_ =	shalt  }
0x76: {  	_ =	shalt  }
0x77: {  	_ =	shalt  }
0x78: {  	_ =	shalt  }
0x79: {  	_ =	shalt  }
0x7a: {  	_ =	shalt  }
0x7b: {  	_ =	shalt  }
0x7c: {  	_ =	shalt  }
0x7d: {  	_ =	shalt  }
0x7e: {  	_ =	shalt  }
0x7f: {  	_ =	shalt  }
0x80: {  	_ =	shalt  }
0x81: {  	_ =	shalt  }
0x82: {  	_ =	shalt  }
0x83: {  	_ =	shalt  }
0x84: {  	_ =	shalt  }
0x85: {  	_ =	shalt  }
0x86: {  	_ =	shalt  }
0x87: {  	_ =	shalt  }
.Lfunc_end0:
.L_simem_size_0:
called_computation_lowered:
.L_overlay_start_0:
0x88: {  	s2 =	sld [smem:$0x3FD9]  }
0x89: {  	s3 =	sld [smem:$0x3FFE];
	_ =	sdelay $0x1  }
0x8a: {  	s1 =	srdreg.scid  }
0x8b: {  	s0 =	sand.u32 $0x1, s1  }
0x8c: {  	s17 =	sshll.u32 s0, $0xA;
	s2 =	sadd.s32 s3, s2  }
0x8d: {  	s2 =	sadd.s32 s2, s17  }
0x8e: {  	[smem:$0x3FBE] =	sst s2  }
0x8f: {  	_ = 	snop  }
0x90: {  	s2 =	sld [smem:$0x3FD0];
	(tm) =	ssettm $0x1  }
0x91: {  	s18 =	sld [smem:$0x3FFB];
	_ =	sdelay $0x3  }
0x92: {  	_ =	strace s18  }
0x93: {  	s3 =	sld [smem:$0x3FFC];
	_ =	sdelay $0x3  }
0x94: {  	_ =	strace s3  }
0x95: {  	s3 =	sld [smem:$0x3FFD];
	_ =	sdelay $0x3  }
0x96: {  	_ =	strace s3  }
0x97: {  	_ =	strace $0x8FFFFFFF  }
0x98: {  	s19 =	sld [smem:$0x3FDB];
	_ =	sdelay $0x1  }
0x99: {  	s4 =	simm.s32 $_scs_section_size  }
0x9a: {  	s5 =	simm.s32 $_size__tile_overlayer_lowered;
	s6 =	simm.s32 $_tile_overlayer_lowered  }
0x9b: {  	s22 =	simm.s32 $0x1BFF;
	s21 =	sshll.u32 s6, $0x1;
	s3 =	sadd.s32 s4, s19  }
0x9c: {  	s7 =	simm.s32 $0x0;
	s20 =	sshll.u32 s5, $0x1;
	s5 =	sadd.s32 s21, s3  }
0x9d: {  	[timem:s7], [sflag:s22] =	dma.local [hbm:s5], s20  }
0x9e: {  	_ =	swait.ge [sflag:s22], s20  }
0x9f: {  	s4 =	ssub.s32 $0x0, s20;
	[sflag:s22] =	ssyncset.done $0x0  }
0xa0: {  	[sflag:s22] =	ssyncadd.s32 s4;
	_ =	sdelay $0x1  }
0xa1: {  	s23 =	simm.s32 $0x1B8B  }
0xa2: {  	_ =	swait.ge [sflag:s23], $0x1  }
0xa3: {  	[sflag:s23] =	ssyncset.done $0x0  }
0xa4: {  	s25 =	simm.s32 $0x1B8E;
	s24 =	sld [smem:$0x3FFE];
	[sflag:s23] =	ssyncadd.s32 $0xFFFFFFFF  }
0xa5: {  	s26 =	simm.s32 $execute0_lowered;
	[smem:$0x3FD2] =	sst s25  }
0xa6: {  	s5 =	sshll.u32 s26, $0x1;
	_ =	strace $0x80000046;
	[dreg:$0x1] =	wrdreg $0xFFFFFFFF  }
0xa7: {  	s28 =	simm.s32 $_size_execute0_lowered;
	s3 =	sadd.s32 s3, s5;
	[dreg:$0x0] =	wrdreg $0x0  }
0xa8: {  	s5 =	sshll.u32 s28, $0x1;
	[dreg:$0x2] =	wrdreg s3  }
0xa9: {  	[dreg:$0x3] =	wrdreg s5  }
0xaa: {  	[dreg:$0x4] =	wrdreg $0xC0  }
0xab: {  	_ =	task [dreg:s7], $0x5FFFF  }
0xac: {  	[dreg:$0x1] =	wrdreg $0xFFFFFFFF  }
0xad: {  	[dreg:$0x0] =	wrdreg $0x60  }
0xae: {  	[dreg:$0x2] =	wrdreg s24  }
0xaf: {  	[dreg:$0x3] =	wrdreg s2  }
0xb0: {  	[dreg:$0x4] =	wrdreg $0x62200  }
0xb1: {  	[dreg:$0x5] =	wrdreg $0x107200  }
0xb2: {  	[dreg:$0x6] =	wrdreg $0x9  }
0xb3: {  	_ =	task.clear_ibuf [dreg:s7], $0x7FFFF;
	_ =	strace $0x90000046  }
0xb4: {  	s29 =	simm.s32 $0x9;
	_ =	strace $0x80000048  }
0xb5: {  	_ =	swait.ge [sflag:s29], $0x1  }
0xb6: {  	[sflag:s29] =	ssyncadd.s32 $0xFFFFFFFF  }
0xb7: {  	_ =	strace $0x90000048  }
0xb8: {  	_ =	sfence  }
0xb9: {  	s30 =	sld [smem:$0x0];
	_ =	sdelay $0x2  }
0xba: {  	s31 =	sshll.u32 s1, $0xD;
	s1 =	sshrl.u32 s1, $0x2  }
0xbb: {  	s3 =	sand.u32 $0x4000, s31;
	s1 =	sadd.s32 s1, s30  }
0xbc: {  	s0 =	sor.u32 s3, s0;
	s1 =	sshll.u32 s1, $0x11  }
0xbd: {  	s0 =	sor.u32 s1, s0  }
0xbe: {  	s0 =	sadd.s32 $0x8F2B, s0  }
0xbf: {  	[sflag:s0] =	ssyncadd.remote.s32 $0x1  }
0xc0: {  	_ =	sfence.sel $0xFFFF  }
0xc1: {  	[dreg:$0x0] =	wrdreg $0xFFFFFFFF;
	(pc) =	sbr.abs _section_cstart, $3  }
0xc2: {  	[dreg:$0x1] =	wrdreg $0xFFFFFFFF  }
0xc3: {  	_ =	task.clear_ibuf [dreg:s7], $0x2FFFF;
	_ =	strace $0x9FFFFFFF  }
0xc4: {  	(tm) =	ssettm $0x7FFFFFFF  }
0xc5: {  	_ =	shalt  }
tec
execute0_lowered:
.L_overlay_start_1:
0x0: {  	(tag) =	ssettag $0x1  }
0x1: {  	s9 =	rddreg [dreg:$0x0]  }
0x2: {  	s2 =	rddreg [dreg:$0x1]  }
0x3: {  	s1 =	srdreg.scid;
	s3 =	rddreg [dreg:$0x2]  }
0x4: {  	s0 =	stileid.u32;
	s4 =	rddreg [dreg:$0x3];
	s5 =	simm.s32 $0x0  }
0x5: {  	s20 =	simm.s32 $0x50;
	s21 =	simm.s32 $0x4E20;
	s22 =	simm.s32 $0x1  }
0x6: {  	s23 =	simm.s32 $0x0;
	s10 =	sand.u32 $0x1, s1;
	s11 =	smul.u32 $0xA000, s0  }
0x7: {  	s30 =	sshll.u32 s0, $0x1;
	[smem:$0x7FF] =	sst s5;
	s12 =	smul.u32 $0x2800, s0  }
0x8: {  	s6 =	sadd.s32 $0x15800, s9;
	s16 =	sshll.u32 s0, $0x6;
	s8 =	smul.u32 $0xA0000, s10  }
0x9: {  	s1 =	sor.u32 s10, s30;
	s13 =	smul.u32 $0x28000, s10;
	s10 =	ssub.s32 $0x2, s10  }
0xa: {  	s7 =	smul.u32 $0x4E2, s1;
	s1 =	rddreg [dreg:$0x4];
	_ =	strace $0x80000047  }
0xb: {  	s31 =	sshrl.u32 s10, $0x1;
	s18 =	sadd.s32 s11, s3;
	s19 =	sadd.s32 s12, s4  }
0xc: {  	s15 =	sadd.s32 s11, s8;
	s8 =	sadd.s32 $0x29800, s9;
	s13 =	sadd.s32 s12, s13  }
0xd: {  	s17 =	ssub.s32 s10, s31;
	s14 =	sadd.s32 s7, s9;
	s15 =	sshrl.u32 s15, $0x3  }
0xe: {  	s7 =	sadd.s32 $0x29A00, s9;
	s13 =	sshrl.u32 s13, $0x3;
	s15 =	sadd.s32 s15, s9  }
0xf: {  	s13 =	sadd.s32 s13, s9;
	s9 =	sor.u32 $0x1C02, s16;
	s10 =	sadd.s32 $0xBA00, s14  }
0x10: {  	s11 =	sadd.s32 $0x1C00, s14;
	s14 =	smax.u32 s17, $0x1;
	s16 =	simm.s32 $0x2  }
0x11: {  	s17 =	sshrl.u32 s19, $0x3;
	s19 =	simm.s32 $0x2710;
	s12 =	sadd.s32 $0x34E00, s15  }
0x12: {  	s13 =	sadd.s32 $0x2AE00, s13;
	s15 =	sshrl.u32 s18, $0x3;
	s18 =	simm.s32 $0x10220  }
.LBB2_1:
0x13: {  	[spmem:s15], [sflag:s9] =	dma.local [hbm:s7], $0x1400  }
0x14: {  	_ =	swait.ge [sflag:s16], $0x1400  }
0x15: {  	[sflag:s16] =	ssyncset.done $0x0  }
0x16: {  	[sflag:s16] =	ssyncadd.s32 $0xFFFFEC00  }
0x17: {  	[spmem:s17], [sflag:s9] =	dma.local [hbm:s2], $0x500  }
0x18: {  	_ =	swait.ge [sflag:s16], $0x500  }
0x19: {  	[sflag:s16] =	ssyncset.done $0x0  }
0x1a: {  	[sflag:s16] =	ssyncadd.s32 $0xFFFFFB00  }
0x1b: {  	[tilespmem:s18], [sflag:$0x2] =	stream.linear.gather [hbm4b:s8+s5], $0x500, $0x38;
	[tilespmem:$0x12F20] =	vst v63  }
0x1c: {  	_ =	swait.ge [sflag:s16], $0x500  }
0x1d: {  	[sflag:s16] =	ssyncset.done $0x0  }
0x1e: {  	[sflag:s16] =	ssyncadd.s32 $0xFFFFFB00  }
0x1f: {  	[tilespmem:s5], [sflag:$0x2] =	stream.linear.gather [hbm4b:s10+s5], $0x2710, $0x38;
	[tilespmem:$0x12F20] =	vst v63  }
0x20: {  	_ =	swait.ge [sflag:s16], $0x2710  }
0x21: {  	[sflag:s16] =	ssyncset.done $0x0  }
0x22: {  	[sflag:s16] =	ssyncadd.s32 $0xFFFFD8F0  }
0x23: {  	[tilespmem:s19], [sflag:$0x2] =	stream.linear.gather [hbm4b:s11+s5], $0x2710, $0x38;
	[tilespmem:$0x12F20] =	vst v63  }
0x24: {  	_ =	swait.ge [sflag:s16], $0x2710  }
0x25: {  	[sflag:s16] =	ssyncset.done $0x0  }
0x26: {  	[sflag:s16] =	ssyncadd.s32 $0xFFFFD8F0  }
0x27: {  	s24 =	simm.s32 $0x0;
	[bflag:$0x0] =	sbarrier.arrive $0xFFFF  }
0x28: {  	[tilespmem:s21], [sflag:$0x1] =	stream.indirect.gather [hbm4b:s6+s20], $0x40, s24, s20, $0xb8;
	[tilespmem:$0x12F20] =	vst v63  }
0x29: {  	_ =	swait.ge [sflag:s22], $0x1400  }
0x2a: {  	[sflag:s22] =	ssyncset.done $0x0  }
0x2b: {  	s31 =	simm.s32 $0x2710;
	[sflag:s22] =	ssyncadd.s32 $0xFFFFEC00  }
0x2c: {  	[spmem:s3] =	stream.indirect.scatter.add.f32 [tilespmem:s21], [sflag:$0x2], $0x40, s31, s20, $0xb8;
	[tilespmem:$0x12F20] =	vst v63  }
0x2d: {  	_ =	swait.ge [sflag:s16], $0x1400  }
0x2e: {  	[sflag:s16] =	ssyncset.done $0x0  }
0x2f: {  	[sflag:s16] =	ssyncadd.s32 $0xFFFFEC00  }
0x30: {  	[spmem:s4] =	stream.indirect.scatter.add.f32 [tilespmem:s18], [sflag:$0x2], $0x10, s31, s20, $0xb8;
	[tilespmem:$0x12F20] =	vst v63  }
0x31: {  	_ =	swait.ge [sflag:s16], $0x500  }
0x32: {  	s25 =	simm.s32 $0x280;
	s24 =	simm.s32 $0x140;
	[sflag:s16] =	ssyncset.done $0x0  }
.LBB2_2:
0x33: {  	s26 =	sshra.s32 s24, $0x2  }
0x34: {  	[sflag:s16] =	ssyncadd.s32 $0xFFFFFB00;
	s24 =	smov.u32 s25;
	s28 =	sadd.s32 $0x140, s25  }
0x35: {  	[tilespmem:s21], [sflag:$0x1] =	stream.indirect.gather [hbm4b:s6+s20], $0x40, s26, s20, $0xb8;
	[tilespmem:$0x12F20] =	vst v63  }
0x36: {  	p0 =	sne.s32 s25, $0x9B00;
	_ =	swait.ge [sflag:s22], $0x1400  }
0x37: {  	[sflag:s22] =	ssyncset.done $0x0  }
0x38: {  	s25 =	sadd.s32 $0x2710, s26;
	[sflag:s22] =	ssyncadd.s32 $0xFFFFEC00  }
0x39: {  	[spmem:s3] =	stream.indirect.scatter.add.f32 [tilespmem:s21], [sflag:$0x2], $0x40, s25, s20, $0xb8;
	[tilespmem:$0x12F20] =	vst v63  }
0x3a: {  	_ =	swait.ge [sflag:s16], $0x1400  }
.Ltmp0:
0x3b: {  	[sflag:s16] =	ssyncset.done $0x0;
	(pc) =	sbr.rel @p0 .LBB2_2-.Ltmp0, $4  }
0x3c: {  	[sflag:s16] =	ssyncadd.s32 $0xFFFFEC00  }
0x3d: {  	[spmem:s4] =	stream.indirect.scatter.add.f32 [tilespmem:s18], [sflag:$0x2], $0x10, s25, s20, $0xb8;
	[tilespmem:$0x12F20] =	vst v63  }
0x3e: {  	_ =	swait.ge [sflag:s16], $0x500  }
0x3f: {  	s25 =	smov.u32 s28;
	[sflag:s16] =	ssyncset.done $0x0  }
0x40: {  	s24 =	sshra.s32 s24, $0x2;
	[sflag:s16] =	ssyncadd.s32 $0xFFFFFB00  }
0x41: {  	[tilespmem:s21], [sflag:$0x1] =	stream.indirect.gather [hbm4b:s6+s20], $0x40, s24, s20, $0xb8;
	[tilespmem:$0x12F20] =	vst v63  }
0x42: {  	_ =	swait.ge [sflag:s22], $0x1400  }
0x43: {  	[sflag:s22] =	ssyncset.done $0x0  }
0x44: {  	s24 =	sadd.s32 $0x2710, s24;
	[sflag:s22] =	ssyncadd.s32 $0xFFFFEC00  }
0x45: {  	[spmem:s3] =	stream.indirect.scatter.add.f32 [tilespmem:s21], [sflag:$0x2], $0x40, s24, s20, $0xb8;
	[tilespmem:$0x12F20] =	vst v63  }
0x46: {  	_ =	swait.ge [sflag:s16], $0x1400  }
0x47: {  	[sflag:s16] =	ssyncset.done $0x0  }
0x48: {  	[sflag:s16] =	ssyncadd.s32 $0xFFFFEC00  }
0x49: {  	[spmem:s4] =	stream.indirect.scatter.add.f32 [tilespmem:s18], [sflag:$0x2], $0x10, s24, s20, $0xb8;
	[tilespmem:$0x12F20] =	vst v63  }
0x4a: {  	_ =	swait.ge [sflag:s16], $0x500  }
0x4b: {  	[sflag:s16] =	ssyncset.done $0x0  }
0x4c: {  	[sflag:s16] =	ssyncadd.s32 $0xFFFFFB00  }
0x4d: {  	[bflag:$0x0] =	sbarrier.arrive $0xFFFF  }
0x4e: {  	[hbm:s12], [sflag:s9] =	dma.local [spmem:s15], $0x1400  }
0x4f: {  	s23 =	sadd.s32 $0x1, s23;
	_ =	swait.ge [sflag:s16], $0x1400  }
0x50: {  	p0 =	sne.s32 s23, s14;
	[sflag:s16] =	ssyncset.done $0x0  }
.Ltmp1:
0x51: {  	[sflag:s16] =	ssyncadd.s32 $0xFFFFEC00;
	(pc) =	sbr.rel @p0 .LBB2_1-.Ltmp1, $4  }
0x52: {  	[hbm:s13], [sflag:s9] =	dma.local [spmem:s17], $0x500  }
0x53: {  	_ =	swait.ge [sflag:s16], $0x500  }
0x54: {  	[sflag:s16] =	ssyncset.done $0x0  }
0x55: {  	[sflag:s16] =	ssyncadd.s32 $0xFFFFFB00  }
0x56: {  	_ =	sfence.sel $0x180000  }
0x57: {  	[bflag:$0x0] =	sbarrier.arrive $0xFFFF  }
0x58: {  	p0 =	sne.s32 s0, $0x0;
	_ =	strace $0x90000047  }
0x59: {  	s0 =	sadd.s32 @!p0 $0x100000, s1;
	[bflag:$0x2] =	sbarrier.arrive $0xFFFF  }
0x5a: {  	[sflag:s0] =	ssyncadd.tile.s32 @!p0 $0x1;
	_ =	shalt  }
.Lfunc_end2:
_tile_overlayer_lowered:
.L_overlay_start_2:
0x5b: {  	(tag) =	ssettag $0x2  }
0x5c: {  	s0 =	rddreg [dreg:$0x0];
	s2 =	stileid.u32  }
0x5d: {  	s1 =	rddreg [dreg:$0x1];
	p0 =	sne.s32 s2, $0x0  }
0x5e: {  	s3 =	rddreg [dreg:$0x2];
	[bflag:$0x3] =	sbarrier.arrive $0xFFFF;
	s2 =	simm.s32 @!p0 $0x1C02  }
0x5f: {  	[timem:s3], [sflag:s2] =	dma.local @!p0 [hbm:s0], s1  }
0x60: {  	s0 =	simm.s32 @!p0 $0x2  }
0x61: {  	_ =	swait.ge @!p0 [sflag:s0], s1  }
0x62: {  	s1 =	ssub.s32 @!p0 $0x0, s1;
	[sflag:s0] =	ssyncset.done @!p0 $0x0  }
0x63: {  	[sflag:s0] =	ssyncadd.s32 @!p0 s1  }
0x64: {  	[bflag:$0x3] =	sbarrier.arrive $0xFFFF  }
0x65: {  	_ =	shalt  }

</sc_bundles>
